<compile_context>
chip_gen: v7x
topology: tpu7x:2x2x1
jax: 0.10.2.dev20260603
libtpu: 0.0.44.dev20260713+nightly
codegen_flags: <defaults>
</compile_context>

<pallas_src>
import functools

import jax
import jax.numpy as jnp
from jax import lax
from jax.experimental import pallas as pl
from jax.experimental.pallas import tpu as pltpu
from jax.experimental.pallas import tpu_sc as plsc

N = 10000
E = 160000
D = 256
DE = 16
H = 128
M_BLK = 1000
E_BLK = 2048
CH = 64
N_SUB = 16
EP = 163840
EPT = EP // N_SUB
N_CH = EPT // CH
NP = 10240
RPT = NP // N_SUB


def _prep_body(x_ref, wlt_ref, w1at_ref, h_ref, hw_ref):
    h = jnp.maximum(
        jnp.dot(x_ref[...], wlt_ref[...], preferred_element_type=jnp.float32), 0.0)
    h_ref[...] = h
    hw = jnp.dot(h, w1at_ref[...], preferred_element_type=jnp.float32)
    hw_ref[0] = hw[:, :H]
    hw_ref[1] = hw[:, H:]


def _prep(x, wlt, w1at):
    return pl.pallas_call(
        _prep_body,
        grid=(N // M_BLK,),
        in_specs=[
            pl.BlockSpec((M_BLK, D), lambda i: (i, 0)),
            pl.BlockSpec((D, D), lambda i: (0, 0)),
            pl.BlockSpec((D, D), lambda i: (0, 0)),
        ],
        out_specs=[
            pl.BlockSpec((M_BLK, D), lambda i: (i, 0)),
            pl.BlockSpec((2, M_BLK, H), lambda i: (0, i, 0)),
        ],
        out_shape=[
            jax.ShapeDtypeStruct((N, D), jnp.float32),
            jax.ShapeDtypeStruct((2, N, H), jnp.float32),
        ],
    )(x, wlt, w1at)


def _edge_body(ea_ref, w1bt_ref, b1_ref, ew_ref):
    ew = jnp.dot(ea_ref[...], w1bt_ref[...],
                 preferred_element_type=jnp.float32) + b1_ref[...]
    ew_ref[0] = ew[:, :H]
    ew_ref[1] = ew[:, H:]


def _edge(edge_attr, w1bt, b1):
    return pl.pallas_call(
        _edge_body,
        grid=(EP // E_BLK,),
        in_specs=[
            pl.BlockSpec((E_BLK, DE), lambda i: (i, 0)),
            pl.BlockSpec((DE, D), lambda i: (0, 0)),
            pl.BlockSpec((1, D), lambda i: (0, 0)),
        ],
        out_specs=[pl.BlockSpec((2, E_BLK, H), lambda i: (0, i, 0))],
        out_shape=[jax.ShapeDtypeStruct((2, EP, H), jnp.float32)],
    )(edge_attr, w1bt, b1)[0]


def _out_body(ns_ref, h_ref, w2t_ref, b2_ref, o_ref):
    acc = jnp.dot(ns_ref[0], w2t_ref[0:H, :], preferred_element_type=jnp.float32)
    acc = acc + jnp.dot(ns_ref[1], w2t_ref[H:2 * H, :],
                        preferred_element_type=jnp.float32)
    acc = acc + jnp.dot(h_ref[...], w2t_ref[2 * H:, :],
                        preferred_element_type=jnp.float32)
    o_ref[...] = jnp.maximum(acc + b2_ref[...], 0.0)


def _out(ns_s, h, w2t, b2):
    return pl.pallas_call(
        _out_body,
        grid=(N // M_BLK,),
        in_specs=[
            pl.BlockSpec((2, M_BLK, H), lambda i: (0, i, 0)),
            pl.BlockSpec((M_BLK, D), lambda i: (i, 0)),
            pl.BlockSpec((2 * D, D), lambda i: (0, 0)),
            pl.BlockSpec((1, D), lambda i: (0, 0)),
        ],
        out_specs=pl.BlockSpec((M_BLK, D), lambda i: (i, 0)),
        out_shape=jax.ShapeDtypeStruct((N, D), jnp.float32),
    )(ns_s, h, w2t, b2)


@functools.cache
def _get_sc_kernel():
    mesh = plsc.VectorSubcoreMesh(core_axis_name="c", subcore_axis_name="s")

    @functools.partial(
        pl.kernel,
        mesh=mesh,
        out_type=jax.ShapeDtypeStruct((2 * NP, H), jnp.float32),
        scratch_types=[
            pltpu.VMEM((CH,), jnp.int32),
            pltpu.VMEM((CH,), jnp.int32),
            pltpu.VMEM((CH,), jnp.int32),
            pltpu.VMEM((CH,), jnp.int32),
            pltpu.VMEM((CH,), jnp.int32),
            pltpu.VMEM((CH,), jnp.int32),
            pltpu.VMEM((CH,), jnp.int32),
            pltpu.VMEM((CH,), jnp.int32),
            pltpu.VMEM((CH, H), jnp.float32),
            pltpu.VMEM((CH, H), jnp.float32),
            pltpu.VMEM((CH, H), jnp.float32),
            pltpu.VMEM((CH, H), jnp.float32),
            pltpu.VMEM_SHARED((NP, H), jnp.float32),
            pltpu.SemaphoreType.DMA,
            pltpu.SemaphoreType.DMA,
            pltpu.SemaphoreType.DMA,
            pltpu.SemaphoreType.DMA,
            pltpu.SemaphoreType.DMA,
            pltpu.SemaphoreType.DMA,
            pltpu.SemaphoreType.DMA,
            pltpu.SemaphoreType.DMA,
        ],
    )
    def _sc_edge_agg(hw_hbm, ew_hbm, src2_hbm, dst_hbm, zeros_hbm, out_hbm,
                     s0, s1, s2, s3, d0, d1, d2, d3,
                     g0, g1, e0, e1, accum,
                     si0, si1, si2, si3, sg0, sg1, se0, se1):
        _sc_body(hw_hbm, ew_hbm, src2_hbm, dst_hbm, zeros_hbm, out_hbm,
                 s0, s1, s2, s3, d0, d1, d2, d3,
                 g0, g1, e0, e1, accum,
                 si0, si1, si2, si3, sg0, sg1, se0, se1)

    return _sc_edge_agg


def _sc_body(hw_hbm, ew_hbm, src2_hbm, dst_hbm, zeros_hbm, out_hbm,
             s0, s1, s2, s3, d0, d1, d2, d3,
             g0, g1, e0, e1, accum,
             si0, si1, si2, si3, sg0, sg1, se0, se1):
    c = lax.axis_index("c")
    s = lax.axis_index("s")
    ebase2 = c * EP + s * EPT
    pltpu.sync_copy(zeros_hbm.at[pl.ds(s * RPT, RPT)],
                    accum.at[pl.ds(s * RPT, RPT)])
    plsc.subcore_barrier()

    isets = ((s0, d0, si0), (s1, d1, si1), (s2, d2, si2), (s3, d3, si3))
    dsets = ((g0, e0, sg0, se0), (g1, e1, sg1, se1))

    def start_idx(iset, k):
        off = k * CH
        pltpu.async_copy(src2_hbm.at[pl.ds(ebase2 + off, CH)], iset[0], iset[2])
        pltpu.async_copy(dst_hbm.at[pl.ds(s * EPT + off, CH)], iset[1], iset[2])

    def wait_idx(iset, k):
        off = k * CH
        pltpu.make_async_copy(src2_hbm.at[pl.ds(ebase2 + off, CH)],
                              iset[0], iset[2]).wait()
        pltpu.make_async_copy(dst_hbm.at[pl.ds(s * EPT + off, CH)],
                              iset[1], iset[2]).wait()

    def start_fetch(iset, dset, k):
        pltpu.async_copy(hw_hbm.at[iset[0]], dset[0], dset[2])
        pltpu.async_copy(ew_hbm.at[pl.ds(ebase2 + k * CH, CH)], dset[1], dset[3])

    def process(ia, ib, ic, da, db, k):
        @pl.when(k + 1 < N_CH)
        def _():
            wait_idx(ib, k + 1)
            start_fetch(ib, db, k + 1)

        @pl.when(k + 2 < N_CH)
        def _():
            start_idx(ic, k + 2)
        g, eb = da[0], da[1]
        pltpu.make_async_copy(hw_hbm.at[ia[0]], g, da[2]).wait()
        pltpu.make_async_copy(ew_hbm.at[pl.ds(ebase2 + k * CH, CH)],
                              eb, da[3]).wait()

        def row(r, rc):
            for j in range(H // 16):
                sl = pl.ds(j * 16, 16)
                g[r, sl] = jnp.maximum(g[r, sl] + eb[r, sl], 0.0)
            return rc
        lax.fori_loop(0, CH, row, 0)
        pltpu.sync_copy(g, accum.at[ia[1]], add=True)

    pltpu.sync_copy(src2_hbm.at[pl.ds(ebase2, CH)], s0)
    pltpu.sync_copy(dst_hbm.at[pl.ds(s * EPT, CH)], d0)
    start_fetch(isets[0], dsets[0], 0)
    start_idx(isets[1], 1)

    def chunk(k, carry):
        for m in range(4):
            @pl.when(k % 4 == m)
            def _(m=m):
                process(isets[m], isets[(m + 1) % 4], isets[(m + 2) % 4],
                        dsets[m % 2], dsets[(m + 1) % 2], k)
        return carry

    lax.fori_loop(0, N_CH, chunk, 0)
    plsc.subcore_barrier()
    pltpu.sync_copy(accum.at[pl.ds(s * RPT, RPT)],
                    out_hbm.at[pl.ds(c * NP + s * RPT, RPT)])


def kernel(x, edge_index, edge_attr, W_lin, W1, b1, W2, b2):
    src = edge_index[0].astype(jnp.int32)
    dst = edge_index[1].astype(jnp.int32)
    srcp = jnp.concatenate([src, jnp.zeros((EP - E,), jnp.int32)])
    dstp = jnp.concatenate([dst, jnp.full((EP - E,), N, jnp.int32)])
    src2 = jnp.concatenate([srcp, srcp + N])
    wlt = W_lin.T
    w1at = W1[:, :D].T
    w1bt = W1[:, D:].T
    w2t = W2.T
    h, hw_s = _prep(x, wlt, w1at)
    ea_p = jnp.concatenate(
        [edge_attr, jnp.zeros((EP - E, DE), jnp.float32)])
    ew_s = _edge(ea_p, w1bt, b1.reshape(1, D))
    hw_flat = hw_s.reshape(2 * N, H)
    ew_flat = ew_s.reshape(2 * EP, H)
    zeros = jnp.zeros((NP, H), jnp.float32)
    ns_flat = _get_sc_kernel()(hw_flat, ew_flat, src2, dstp, zeros)
    ns_s = ns_flat.reshape(2, NP, H)
    return _out(ns_s, h, w2t, b2.reshape(1, D))

# --- scband reference (transcript-rebuilt; emitter-appended) ---
"""Pipeline reference for scband-wln-10393820856826 (READ-ONLY COPY).

The authoritative reference and input builder live on the scoring server;
editing this copy changes nothing except your own understanding.
"""

import jax, jax.numpy as jnp
import numpy as np

N_NODES = 10000
N_EDGES = 160000
D_IN = 256
D_EDGE = 16
D_HID = 256
DEPTH = 1


def setup_inputs(seed: int = 0) -> dict:
    key = jax.random.key(seed)
    k1, k2, k3, k4, k5, k6, k7, k8 = jax.random.split(key, 8)
    x = jax.random.normal(k1, (N_NODES, D_IN), dtype=jnp.float32)
    edge_index = jax.random.randint(k2, (2, N_EDGES), 0, N_NODES, dtype=jnp.int64)
    edge_attr = jax.random.normal(k3, (N_EDGES, D_EDGE), dtype=jnp.float32)
    # Parameters (Kaiming-like scaling similar to torch Linear default)
    W_lin = jax.random.uniform(k4, (D_HID, D_IN), dtype=jnp.float32, minval=-1.0, maxval=1.0) / jnp.sqrt(D_IN)
    W1 = jax.random.uniform(k5, (D_HID, D_HID + D_EDGE), dtype=jnp.float32, minval=-1.0, maxval=1.0) / jnp.sqrt(D_HID + D_EDGE)
    b1 = jax.random.uniform(k6, (D_HID,), dtype=jnp.float32, minval=-1.0, maxval=1.0) / jnp.sqrt(D_HID + D_EDGE)
    W2 = jax.random.uniform(k7, (D_HID, 2 * D_HID), dtype=jnp.float32, minval=-1.0, maxval=1.0) / jnp.sqrt(2 * D_HID)
    b2 = jax.random.uniform(k8, (D_HID,), dtype=jnp.float32, minval=-1.0, maxval=1.0) / jnp.sqrt(2 * D_HID)
    return {"x": x, "edge_index": edge_index, "edge_attr": edge_attr,
            "W_lin": W_lin, "W1": W1, "b1": b1, "W2": W2, "b2": b2}


def reference(x, edge_index, edge_attr, W_lin, W1, b1, W2, b2):
    n = x.shape[0]
    # WLN: x = relu(lin(x)), lin has no bias
    h = jax.nn.relu(x @ W_lin.T)
    for _ in range(DEPTH):
        src = edge_index[0]
        dst = edge_index[1]
        # message: lin1(cat(x_j, edge_attr)).relu()
        x_j = jnp.take(h, src, axis=0)
        msg_in = jnp.concatenate([x_j, edge_attr], axis=1)
        msg = jax.nn.relu(msg_in @ W1.T + b1)
        # aggregate: scatter-add to destination nodes
        neighbor_sum = jax.ops.segment_sum(msg, dst, num_segments=n)
        # update: lin2(cat(neighbor_sum, x)).relu()
        upd_in = jnp.concatenate([neighbor_sum, h], axis=1)
        h = jax.nn.relu(upd_in @ W2.T + b2)
    return h

if __name__ == "__main__":
    import jax
    _d = setup_inputs()
    print(jax.jit(kernel)(*tuple(_d.values())))

</pallas_src>

<mosaic_0001>
#map = affine_map<(d0, d1) -> (0, 0)>
#map1 = affine_map<(d0, d1) -> (0)>
module attributes {stable_mosaic.version = 14 : i64} {
  func.func @_sc_edge_agg(%arg0: i32, %arg1: i32, %arg2: memref<20000x128xf32, #tpu.memory_space<hbm>>, %arg3: memref<327680x128xf32, #tpu.memory_space<hbm>>, %arg4: memref<327680xi32, #tpu.memory_space<hbm>>, %arg5: memref<163840xi32, #tpu.memory_space<hbm>>, %arg6: memref<10240x128xf32, #tpu.memory_space<hbm>>, %arg7: memref<20480x128xf32, #tpu.memory_space<hbm>>, %arg8: memref<64xi32, #tpu.memory_space<vmem>>, %arg9: memref<64xi32, #tpu.memory_space<vmem>>, %arg10: memref<64xi32, #tpu.memory_space<vmem>>, %arg11: memref<64xi32, #tpu.memory_space<vmem>>, %arg12: memref<64xi32, #tpu.memory_space<vmem>>, %arg13: memref<64xi32, #tpu.memory_space<vmem>>, %arg14: memref<64xi32, #tpu.memory_space<vmem>>, %arg15: memref<64xi32, #tpu.memory_space<vmem>>, %arg16: memref<64x128xf32, #tpu.memory_space<vmem>>, %arg17: memref<64x128xf32, #tpu.memory_space<vmem>>, %arg18: memref<64x128xf32, #tpu.memory_space<vmem>>, %arg19: memref<64x128xf32, #tpu.memory_space<vmem>>, %arg20: memref<10240x128xf32, #tpu.memory_space<vmem_shared>>, %arg21: memref<!tpu.dma_semaphore, #tpu.memory_space<semaphore_mem>>, %arg22: memref<!tpu.dma_semaphore, #tpu.memory_space<semaphore_mem>>, %arg23: memref<!tpu.dma_semaphore, #tpu.memory_space<semaphore_mem>>, %arg24: memref<!tpu.dma_semaphore, #tpu.memory_space<semaphore_mem>>, %arg25: memref<!tpu.dma_semaphore, #tpu.memory_space<semaphore_mem>>, %arg26: memref<!tpu.dma_semaphore, #tpu.memory_space<semaphore_mem>>, %arg27: memref<!tpu.dma_semaphore, #tpu.memory_space<semaphore_mem>>, %arg28: memref<!tpu.dma_semaphore, #tpu.memory_space<semaphore_mem>>) attributes {dimension_semantics = [#tpu.dimension_semantics<core_parallel>, #tpu.dimension_semantics<subcore_parallel>], iteration_bounds = array<i64: 2, 16>, scalar_prefetch = 0 : i64, scratch_operands = 21 : i64, tpu.core_type = #tpu.core_type<sc_vector_subcore>, window_params = [{transform_indices = #map}, {transform_indices = #map}, {transform_indices = #map1}, {transform_indices = #map1}, {transform_indices = #map}, {transform_indices = #map}]} {
    %mul3A = arith.constant 163840 : i32
    %mul3A_0 = arith.muli %arg0, %mul3A : i32
    %mul3A_1 = arith.constant 10240 : i32
    %mul3A_2 = arith.muli %arg1, %mul3A_1 : i32
    %add3A = arith.addi %mul3A_0, %mul3A_2 : i32
    %mul3A_3 = arith.constant 640 : i32
    %mul3A_4 = arith.muli %arg1, %mul3A_3 : i32
    %mul3A_5 = arith.constant 640 : i32
    %mul3A_6 = arith.muli %arg1, %mul3A_5 : i32
    "tpu.region"() ({
      %run_scoped3A = tpu.sem_alloc : memref<!tpu.dma_semaphore, #tpu.memory_space<semaphore_mem>>
      %dma_start3A_40 = arith.constant 0 : i32
      %dma_start3A_41 = tpu.memref_slice %arg20[%mul3A_6, %dma_start3A_40] : memref<10240x128xf32, #tpu.memory_space<vmem_shared>> -> memref<640x128xf32, #tpu.memory_space<vmem_shared>>
      %dma_start3A_42 = arith.constant 0 : i32
      %dma_start3A_43 = tpu.memref_slice %arg6[%mul3A_4, %dma_start3A_42] : memref<10240x128xf32, #tpu.memory_space<hbm>> -> memref<640x128xf32, #tpu.memory_space<hbm>>
      tpu.enqueue_dma source(%dma_start3A_43 : memref<640x128xf32, #tpu.memory_space<hbm>>) target(%dma_start3A_41 : memref<640x128xf32, #tpu.memory_space<vmem_shared>>) target_semaphore(%run_scoped3A : memref<!tpu.dma_semaphore, #tpu.memory_space<semaphore_mem>>)
      %dma_wait3A = arith.constant 0 : i32
      %dma_wait3A_44 = tpu.memref_slice %arg20[%mul3A_6, %dma_wait3A] : memref<10240x128xf32, #tpu.memory_space<vmem_shared>> -> memref<640x128xf32, #tpu.memory_space<vmem_shared>>
      %dma_wait3A_45 = arith.constant 0 : i32
      %dma_wait3A_46 = tpu.memref_slice %arg6[%mul3A_4, %dma_wait3A_45] : memref<10240x128xf32, #tpu.memory_space<hbm>> -> memref<640x128xf32, #tpu.memory_space<hbm>>
      tpu.wait_dma2 semaphore(%run_scoped3A : memref<!tpu.dma_semaphore, #tpu.memory_space<semaphore_mem>>) src(%dma_wait3A_46 : memref<640x128xf32, #tpu.memory_space<hbm>>) dst(%dma_wait3A_44 : memref<640x128xf32, #tpu.memory_space<vmem_shared>>)
      tpu.yield
    }) : () -> ()
    %barrier3A = arith.constant 0 : index
    tpu.barrier barrier_id(%barrier3A)
    "tpu.region"() ({
      %run_scoped3A = tpu.sem_alloc : memref<!tpu.dma_semaphore, #tpu.memory_space<semaphore_mem>>
      %dma_start3A_40 = tpu.memref_slice %arg4[%add3A] : memref<327680xi32, #tpu.memory_space<hbm>> -> memref<64xi32, #tpu.memory_space<hbm>>
      %dma_start3A_41 = tpu.memref_slice %arg4[%add3A] : memref<327680xi32, #tpu.memory_space<hbm>> -> memref<64xi32, #tpu.memory_space<hbm>>
      tpu.enqueue_dma source(%dma_start3A_41 : memref<64xi32, #tpu.memory_space<hbm>>) target(%arg8 : memref<64xi32, #tpu.memory_space<vmem>>) target_semaphore(%run_scoped3A : memref<!tpu.dma_semaphore, #tpu.memory_space<semaphore_mem>>)
      %dma_wait3A = tpu.memref_slice %arg4[%add3A] : memref<327680xi32, #tpu.memory_space<hbm>> -> memref<64xi32, #tpu.memory_space<hbm>>
      %dma_wait3A_42 = tpu.memref_slice %arg4[%add3A] : memref<327680xi32, #tpu.memory_space<hbm>> -> memref<64xi32, #tpu.memory_space<hbm>>
      tpu.wait_dma2 semaphore(%run_scoped3A : memref<!tpu.dma_semaphore, #tpu.memory_space<semaphore_mem>>) src(%dma_wait3A_42 : memref<64xi32, #tpu.memory_space<hbm>>) dst(%arg8 : memref<64xi32, #tpu.memory_space<vmem>>)
      tpu.yield
    }) : () -> ()
    %mul3A_7 = arith.constant 10240 : i32
    %mul3A_8 = arith.muli %arg1, %mul3A_7 : i32
    "tpu.region"() ({
      %run_scoped3A = tpu.sem_alloc : memref<!tpu.dma_semaphore, #tpu.memory_space<semaphore_mem>>
      %dma_start3A_40 = tpu.memref_slice %arg5[%mul3A_8] : memref<163840xi32, #tpu.memory_space<hbm>> -> memref<64xi32, #tpu.memory_space<hbm>>
      %dma_start3A_41 = tpu.memref_slice %arg5[%mul3A_8] : memref<163840xi32, #tpu.memory_space<hbm>> -> memref<64xi32, #tpu.memory_space<hbm>>
      tpu.enqueue_dma source(%dma_start3A_41 : memref<64xi32, #tpu.memory_space<hbm>>) target(%arg12 : memref<64xi32, #tpu.memory_space<vmem>>) target_semaphore(%run_scoped3A : memref<!tpu.dma_semaphore, #tpu.memory_space<semaphore_mem>>)
      %dma_wait3A = tpu.memref_slice %arg5[%mul3A_8] : memref<163840xi32, #tpu.memory_space<hbm>> -> memref<64xi32, #tpu.memory_space<hbm>>
      %dma_wait3A_42 = tpu.memref_slice %arg5[%mul3A_8] : memref<163840xi32, #tpu.memory_space<hbm>> -> memref<64xi32, #tpu.memory_space<hbm>>
      tpu.wait_dma2 semaphore(%run_scoped3A : memref<!tpu.dma_semaphore, #tpu.memory_space<semaphore_mem>>) src(%dma_wait3A_42 : memref<64xi32, #tpu.memory_space<hbm>>) dst(%arg12 : memref<64xi32, #tpu.memory_space<vmem>>)
      tpu.yield
    }) : () -> ()
    %dma_start3A = arith.constant 0 : i32
    %dma_start3A_9 = arith.constant 0 : i32
    %dma_start3A_10 = tpu.memref_slice %arg2[%dma_start3A, %dma_start3A_9] : memref<20000x128xf32, #tpu.memory_space<hbm>> -> memref<20000x128xf32, #tpu.memory_space<hbm>>
    tpu.enqueue_indirect_dma source(%dma_start3A_10 : memref<20000x128xf32, #tpu.memory_space<hbm>>) target(%arg16 : memref<64x128xf32, #tpu.memory_space<vmem>>) offsets(%arg8 : memref<64xi32, #tpu.memory_space<vmem>>) semaphore(%arg25 : memref<!tpu.dma_semaphore, #tpu.memory_space<semaphore_mem>>)
    %add3A_11 = arith.constant 0 : i32
    %add3A_12 = arith.addi %add3A, %add3A_11 : i32
    %dma_start3A_13 = arith.constant 0 : i32
    %dma_start3A_14 = tpu.memref_slice %arg3[%add3A_12, %dma_start3A_13] : memref<327680x128xf32, #tpu.memory_space<hbm>> -> memref<64x128xf32, #tpu.memory_space<hbm>>
    %dma_start3A_15 = arith.constant 0 : i32
    %dma_start3A_16 = tpu.memref_slice %arg3[%add3A_12, %dma_start3A_15] : memref<327680x128xf32, #tpu.memory_space<hbm>> -> memref<64x128xf32, #tpu.memory_space<hbm>>
    tpu.enqueue_dma source(%dma_start3A_16 : memref<64x128xf32, #tpu.memory_space<hbm>>) target(%arg18 : memref<64x128xf32, #tpu.memory_space<vmem>>) target_semaphore(%arg27 : memref<!tpu.dma_semaphore, #tpu.memory_space<semaphore_mem>>)
    %add3A_17 = arith.constant 64 : i32
    %add3A_18 = arith.addi %add3A, %add3A_17 : i32
    %dma_start3A_19 = tpu.memref_slice %arg4[%add3A_18] : memref<327680xi32, #tpu.memory_space<hbm>> -> memref<64xi32, #tpu.memory_space<hbm>>
    %dma_start3A_20 = tpu.memref_slice %arg4[%add3A_18] : memref<327680xi32, #tpu.memory_space<hbm>> -> memref<64xi32, #tpu.memory_space<hbm>>
    tpu.enqueue_dma source(%dma_start3A_20 : memref<64xi32, #tpu.memory_space<hbm>>) target(%arg9 : memref<64xi32, #tpu.memory_space<vmem>>) target_semaphore(%arg22 : memref<!tpu.dma_semaphore, #tpu.memory_space<semaphore_mem>>)
    %mul3A_21 = arith.constant 10240 : i32
    %mul3A_22 = arith.muli %arg1, %mul3A_21 : i32
    %add3A_23 = arith.constant 64 : i32
    %add3A_24 = arith.addi %mul3A_22, %add3A_23 : i32
    %dma_start3A_25 = tpu.memref_slice %arg5[%add3A_24] : memref<163840xi32, #tpu.memory_space<hbm>> -> memref<64xi32, #tpu.memory_space<hbm>>
    %dma_start3A_26 = tpu.memref_slice %arg5[%add3A_24] : memref<163840xi32, #tpu.memory_space<hbm>> -> memref<64xi32, #tpu.memory_space<hbm>>
    tpu.enqueue_dma source(%dma_start3A_26 : memref<64xi32, #tpu.memory_space<hbm>>) target(%arg13 : memref<64xi32, #tpu.memory_space<vmem>>) target_semaphore(%arg22 : memref<!tpu.dma_semaphore, #tpu.memory_space<semaphore_mem>>)
    %scan3A = arith.constant 0 : i32
    %scan3A_27 = arith.constant 0 : i32
    %scan3A_28 = arith.constant 160 : i32
    %scan3A_29 = arith.addi %scan3A_27, %scan3A_28 : i32
    %scan3A_30 = arith.constant 1 : i32
    scf.for %scan3A_40 = %scan3A_27 to %scan3A_29 step %scan3A_30  : i32 {
      %jit3A = arith.constant 4 : i32
      %eq3A = arith.constant 0 : i32
      %eq3A_41 = arith.cmpi eq, %jit3A, %eq3A : i32
      %jit3A_42 = arith.constant 1 : i32
      %select_n3A = arith.select %eq3A_41, %jit3A_42, %jit3A : i32
      %rem3A = arith.remsi %scan3A_40, %select_n3A : i32
      %ne3A = arith.constant 0 : i32
      %ne3A_43 = arith.cmpi ne, %rem3A, %ne3A : i32
      %lt3A = arith.constant 0 : i32
      %lt3A_44 = arith.cmpi slt, %rem3A, %lt3A : i32
      %lt3A_45 = arith.constant 0 : i32
      %lt3A_46 = arith.cmpi slt, %select_n3A, %lt3A_45 : i32
      %ne3A_47 = arith.xori %lt3A_44, %lt3A_46 : i1
      %and3A = arith.andi %ne3A_47, %ne3A_43 : i1
      %add3A_48 = arith.addi %rem3A, %select_n3A : i32
      %select_n3A_49 = arith.select %and3A, %add3A_48, %rem3A : i32
      %eq3A_50 = arith.constant 0 : i32
      %eq3A_51 = arith.cmpi eq, %select_n3A_49, %eq3A_50 : i32
      %convert_element_type3A = arith.extui %eq3A_51 : i1 to i32
      %cond3A = arith.constant 0 : i32
      %cond3A_52 = arith.cmpi ne, %convert_element_type3A, %cond3A : i32
      scf.if %cond3A_52 {
        %add3A_116 = arith.constant 1 : i32
        %add3A_117 = arith.addi %scan3A_40, %add3A_116 : i32
        %lt3A_118 = arith.constant 160 : i32
        %lt3A_119 = arith.cmpi slt, %add3A_117, %lt3A_118 : i32
        %convert_element_type3A_120 = arith.extui %lt3A_119 : i1 to i32
        %cond3A_121 = arith.constant 0 : i32
        %cond3A_122 = arith.cmpi ne, %convert_element_type3A_120, %cond3A_121 : i32
        scf.if %cond3A_122 {
          %add3A_145 = arith.constant 1 : i32
          %add3A_146 = arith.addi %scan3A_40, %add3A_145 : i32
          %mul3A_147 = arith.constant 64 : i32
          %mul3A_148 = arith.muli %add3A_146, %mul3A_147 : i32
          %add3A_149 = arith.addi %add3A, %mul3A_148 : i32
          %dma_wait3A_150 = tpu.memref_slice %arg4[%add3A_149] : memref<327680xi32, #tpu.memory_space<hbm>> -> memref<64xi32, #tpu.memory_space<hbm>>
          %dma_wait3A_151 = tpu.memref_slice %arg4[%add3A_149] : memref<327680xi32, #tpu.memory_space<hbm>> -> memref<64xi32, #tpu.memory_space<hbm>>
          tpu.wait_dma2 semaphore(%arg22 : memref<!tpu.dma_semaphore, #tpu.memory_space<semaphore_mem>>) src(%dma_wait3A_151 : memref<64xi32, #tpu.memory_space<hbm>>) dst(%arg9 : memref<64xi32, #tpu.memory_space<vmem>>)
          %mul3A_152 = arith.constant 10240 : i32
          %mul3A_153 = arith.muli %arg1, %mul3A_152 : i32
          %add3A_154 = arith.addi %mul3A_153, %mul3A_148 : i32
          %dma_wait3A_155 = tpu.memref_slice %arg5[%add3A_154] : memref<163840xi32, #tpu.memory_space<hbm>> -> memref<64xi32, #tpu.memory_space<hbm>>
          %dma_wait3A_156 = tpu.memref_slice %arg5[%add3A_154] : memref<163840xi32, #tpu.memory_space<hbm>> -> memref<64xi32, #tpu.memory_space<hbm>>
          tpu.wait_dma2 semaphore(%arg22 : memref<!tpu.dma_semaphore, #tpu.memory_space<semaphore_mem>>) src(%dma_wait3A_156 : memref<64xi32, #tpu.memory_space<hbm>>) dst(%arg13 : memref<64xi32, #tpu.memory_space<vmem>>)
          %add3A_157 = arith.constant 1 : i32
          %add3A_158 = arith.addi %scan3A_40, %add3A_157 : i32
          %dma_start3A_159 = arith.constant 0 : i32
          %dma_start3A_160 = arith.constant 0 : i32
          %dma_start3A_161 = tpu.memref_slice %arg2[%dma_start3A_159, %dma_start3A_160] : memref<20000x128xf32, #tpu.memory_space<hbm>> -> memref<20000x128xf32, #tpu.memory_space<hbm>>
          tpu.enqueue_indirect_dma source(%dma_start3A_161 : memref<20000x128xf32, #tpu.memory_space<hbm>>) target(%arg17 : memref<64x128xf32, #tpu.memory_space<vmem>>) offsets(%arg9 : memref<64xi32, #tpu.memory_space<vmem>>) semaphore(%arg26 : memref<!tpu.dma_semaphore, #tpu.memory_space<semaphore_mem>>)
          %mul3A_162 = arith.constant 64 : i32
          %mul3A_163 = arith.muli %add3A_158, %mul3A_162 : i32
          %add3A_164 = arith.addi %add3A, %mul3A_163 : i32
          %dma_start3A_165 = arith.constant 0 : i32
          %dma_start3A_166 = tpu.memref_slice %arg3[%add3A_164, %dma_start3A_165] : memref<327680x128xf32, #tpu.memory_space<hbm>> -> memref<64x128xf32, #tpu.memory_space<hbm>>
          %dma_start3A_167 = arith.constant 0 : i32
          %dma_start3A_168 = tpu.memref_slice %arg3[%add3A_164, %dma_start3A_167] : memref<327680x128xf32, #tpu.memory_space<hbm>> -> memref<64x128xf32, #tpu.memory_space<hbm>>
          tpu.enqueue_dma source(%dma_start3A_168 : memref<64x128xf32, #tpu.memory_space<hbm>>) target(%arg19 : memref<64x128xf32, #tpu.memory_space<vmem>>) target_semaphore(%arg28 : memref<!tpu.dma_semaphore, #tpu.memory_space<semaphore_mem>>)
        } else {
        }
        %add3A_123 = arith.constant 2 : i32
        %add3A_124 = arith.addi %scan3A_40, %add3A_123 : i32
        %lt3A_125 = arith.constant 160 : i32
        %lt3A_126 = arith.cmpi slt, %add3A_124, %lt3A_125 : i32
        %convert_element_type3A_127 = arith.extui %lt3A_126 : i1 to i32
        %cond3A_128 = arith.constant 0 : i32
        %cond3A_129 = arith.cmpi ne, %convert_element_type3A_127, %cond3A_128 : i32
        scf.if %cond3A_129 {
          %add3A_145 = arith.constant 2 : i32
          %add3A_146 = arith.addi %scan3A_40, %add3A_145 : i32
          %mul3A_147 = arith.constant 64 : i32
          %mul3A_148 = arith.muli %add3A_146, %mul3A_147 : i32
          %add3A_149 = arith.addi %add3A, %mul3A_148 : i32
          %dma_start3A_150 = tpu.memref_slice %arg4[%add3A_149] : memref<327680xi32, #tpu.memory_space<hbm>> -> memref<64xi32, #tpu.memory_space<hbm>>
          %dma_start3A_151 = tpu.memref_slice %arg4[%add3A_149] : memref<327680xi32, #tpu.memory_space<hbm>> -> memref<64xi32, #tpu.memory_space<hbm>>
          tpu.enqueue_dma source(%dma_start3A_151 : memref<64xi32, #tpu.memory_space<hbm>>) target(%arg10 : memref<64xi32, #tpu.memory_space<vmem>>) target_semaphore(%arg23 : memref<!tpu.dma_semaphore, #tpu.memory_space<semaphore_mem>>)
          %mul3A_152 = arith.constant 10240 : i32
          %mul3A_153 = arith.muli %arg1, %mul3A_152 : i32
          %add3A_154 = arith.addi %mul3A_153, %mul3A_148 : i32
          %dma_start3A_155 = tpu.memref_slice %arg5[%add3A_154] : memref<163840xi32, #tpu.memory_space<hbm>> -> memref<64xi32, #tpu.memory_space<hbm>>
          %dma_start3A_156 = tpu.memref_slice %arg5[%add3A_154] : memref<163840xi32, #tpu.memory_space<hbm>> -> memref<64xi32, #tpu.memory_space<hbm>>
          tpu.enqueue_dma source(%dma_start3A_156 : memref<64xi32, #tpu.memory_space<hbm>>) target(%arg14 : memref<64xi32, #tpu.memory_space<vmem>>) target_semaphore(%arg23 : memref<!tpu.dma_semaphore, #tpu.memory_space<semaphore_mem>>)
        } else {
        }
        %dma_wait3A = arith.constant 0 : i32
        %dma_wait3A_130 = arith.constant 0 : i32
        %dma_wait3A_131 = tpu.memref_slice %arg2[%dma_wait3A, %dma_wait3A_130] : memref<20000x128xf32, #tpu.memory_space<hbm>> -> memref<20000x128xf32, #tpu.memory_space<hbm>>
        tpu.wait_indirect_dma semaphore(%arg25 : memref<!tpu.dma_semaphore, #tpu.memory_space<semaphore_mem>>) src(%dma_wait3A_131 : memref<20000x128xf32, #tpu.memory_space<hbm>>) dst(%arg16 : memref<64x128xf32, #tpu.memory_space<vmem>>)
        %mul3A_132 = arith.constant 64 : i32
        %mul3A_133 = arith.muli %scan3A_40, %mul3A_132 : i32
        %add3A_134 = arith.addi %add3A, %mul3A_133 : i32
        %dma_wait3A_135 = arith.constant 0 : i32
        %dma_wait3A_136 = tpu.memref_slice %arg3[%add3A_134, %dma_wait3A_135] : memref<327680x128xf32, #tpu.memory_space<hbm>> -> memref<64x128xf32, #tpu.memory_space<hbm>>
        %dma_wait3A_137 = arith.constant 0 : i32
        %dma_wait3A_138 = tpu.memref_slice %arg3[%add3A_134, %dma_wait3A_137] : memref<327680x128xf32, #tpu.memory_space<hbm>> -> memref<64x128xf32, #tpu.memory_space<hbm>>
        tpu.wait_dma2 semaphore(%arg27 : memref<!tpu.dma_semaphore, #tpu.memory_space<semaphore_mem>>) src(%dma_wait3A_138 : memref<64x128xf32, #tpu.memory_space<hbm>>) dst(%arg18 : memref<64x128xf32, #tpu.memory_space<vmem>>)
        %scan3A_139 = arith.constant 0 : i32
        %scan3A_140 = arith.constant 0 : i32
        %scan3A_141 = arith.constant 64 : i32
        %scan3A_142 = arith.addi %scan3A_140, %scan3A_141 : i32
        %scan3A_143 = arith.constant 1 : i32
        scf.for %scan3A_145 = %scan3A_140 to %scan3A_142 step %scan3A_143  : i32 {
          %get3A = arith.index_cast %scan3A_145 : i32 to index
          %get3A_146 = arith.constant 0 : index
          %get3A_147 = tpu.vector_load %arg16[%get3A, %get3A_146] {strides = array<i32>} : memref<64x128xf32, #tpu.memory_space<vmem>>, vector<1x16xf32>,
          %get3A_148 = vector.shape_cast %get3A_147 : vector<1x16xf32> to vector<16xf32>
          %get3A_149 = arith.index_cast %scan3A_145 : i32 to index
          %get3A_150 = arith.constant 0 : index
          %get3A_151 = tpu.vector_load %arg18[%get3A_149, %get3A_150] {strides = array<i32>} : memref<64x128xf32, #tpu.memory_space<vmem>>, vector<1x16xf32>,
          %get3A_152 = vector.shape_cast %get3A_151 : vector<1x16xf32> to vector<16xf32>
          %add3A_153 = arith.addf %get3A_148, %get3A_152 : vector<16xf32>
          %max3A = arith.constant 0.000000e+00 : f32
          %max3A_154 = vector.broadcast %max3A : f32 to vector<16xf32>
          %max3A_155 = arith.maximumf %add3A_153, %max3A_154 : vector<16xf32>
          %swap3A = arith.index_cast %scan3A_145 : i32 to index
          %swap3A_156 = arith.constant 0 : index
          %swap3A_157 = tpu.vector_load %arg16[%swap3A, %swap3A_156] {strides = array<i32>} : memref<64x128xf32, #tpu.memory_space<vmem>>, vector<1x16xf32>,
          %swap3A_158 = vector.shape_cast %swap3A_157 : vector<1x16xf32> to vector<16xf32>
          %swap3A_159 = vector.shape_cast %max3A_155 : vector<16xf32> to vector<1x16xf32>
          tpu.vector_store %arg16[%swap3A, %swap3A_156], %swap3A_159 {strides = array<i32>} : memref<64x128xf32, #tpu.memory_space<vmem>>, vector<1x16xf32>,
          %get3A_160 = arith.index_cast %scan3A_145 : i32 to index
          %get3A_161 = arith.constant 16 : index
          %get3A_162 = tpu.vector_load %arg16[%get3A_160, %get3A_161] {strides = array<i32>} : memref<64x128xf32, #tpu.memory_space<vmem>>, vector<1x16xf32>,
          %get3A_163 = vector.shape_cast %get3A_162 : vector<1x16xf32> to vector<16xf32>
          %get3A_164 = arith.index_cast %scan3A_145 : i32 to index
          %get3A_165 = arith.constant 16 : index
          %get3A_166 = tpu.vector_load %arg18[%get3A_164, %get3A_165] {strides = array<i32>} : memref<64x128xf32, #tpu.memory_space<vmem>>, vector<1x16xf32>,
          %get3A_167 = vector.shape_cast %get3A_166 : vector<1x16xf32> to vector<16xf32>
          %add3A_168 = arith.addf %get3A_163, %get3A_167 : vector<16xf32>
          %max3A_169 = arith.constant 0.000000e+00 : f32
          %max3A_170 = vector.broadcast %max3A_169 : f32 to vector<16xf32>
          %max3A_171 = arith.maximumf %add3A_168, %max3A_170 : vector<16xf32>
          %swap3A_172 = arith.index_cast %scan3A_145 : i32 to index
          %swap3A_173 = arith.constant 16 : index
          %swap3A_174 = tpu.vector_load %arg16[%swap3A_172, %swap3A_173] {strides = array<i32>} : memref<64x128xf32, #tpu.memory_space<vmem>>, vector<1x16xf32>,
          %swap3A_175 = vector.shape_cast %swap3A_174 : vector<1x16xf32> to vector<16xf32>
          %swap3A_176 = vector.shape_cast %max3A_171 : vector<16xf32> to vector<1x16xf32>
          tpu.vector_store %arg16[%swap3A_172, %swap3A_173], %swap3A_176 {strides = array<i32>} : memref<64x128xf32, #tpu.memory_space<vmem>>, vector<1x16xf32>,
          %get3A_177 = arith.index_cast %scan3A_145 : i32 to index
          %get3A_178 = arith.constant 32 : index
          %get3A_179 = tpu.vector_load %arg16[%get3A_177, %get3A_178] {strides = array<i32>} : memref<64x128xf32, #tpu.memory_space<vmem>>, vector<1x16xf32>,
          %get3A_180 = vector.shape_cast %get3A_179 : vector<1x16xf32> to vector<16xf32>
          %get3A_181 = arith.index_cast %scan3A_145 : i32 to index
          %get3A_182 = arith.constant 32 : index
          %get3A_183 = tpu.vector_load %arg18[%get3A_181, %get3A_182] {strides = array<i32>} : memref<64x128xf32, #tpu.memory_space<vmem>>, vector<1x16xf32>,
          %get3A_184 = vector.shape_cast %get3A_183 : vector<1x16xf32> to vector<16xf32>
          %add3A_185 = arith.addf %get3A_180, %get3A_184 : vector<16xf32>
          %max3A_186 = arith.constant 0.000000e+00 : f32
          %max3A_187 = vector.broadcast %max3A_186 : f32 to vector<16xf32>
          %max3A_188 = arith.maximumf %add3A_185, %max3A_187 : vector<16xf32>
          %swap3A_189 = arith.index_cast %scan3A_145 : i32 to index
          %swap3A_190 = arith.constant 32 : index
          %swap3A_191 = tpu.vector_load %arg16[%swap3A_189, %swap3A_190] {strides = array<i32>} : memref<64x128xf32, #tpu.memory_space<vmem>>, vector<1x16xf32>,
          %swap3A_192 = vector.shape_cast %swap3A_191 : vector<1x16xf32> to vector<16xf32>
          %swap3A_193 = vector.shape_cast %max3A_188 : vector<16xf32> to vector<1x16xf32>
          tpu.vector_store %arg16[%swap3A_189, %swap3A_190], %swap3A_193 {strides = array<i32>} : memref<64x128xf32, #tpu.memory_space<vmem>>, vector<1x16xf32>,
          %get3A_194 = arith.index_cast %scan3A_145 : i32 to index
          %get3A_195 = arith.constant 48 : index
          %get3A_196 = tpu.vector_load %arg16[%get3A_194, %get3A_195] {strides = array<i32>} : memref<64x128xf32, #tpu.memory_space<vmem>>, vector<1x16xf32>,
          %get3A_197 = vector.shape_cast %get3A_196 : vector<1x16xf32> to vector<16xf32>
          %get3A_198 = arith.index_cast %scan3A_145 : i32 to index
          %get3A_199 = arith.constant 48 : index
          %get3A_200 = tpu.vector_load %arg18[%get3A_198, %get3A_199] {strides = array<i32>} : memref<64x128xf32, #tpu.memory_space<vmem>>, vector<1x16xf32>,
          %get3A_201 = vector.shape_cast %get3A_200 : vector<1x16xf32> to vector<16xf32>
          %add3A_202 = arith.addf %get3A_197, %get3A_201 : vector<16xf32>
          %max3A_203 = arith.constant 0.000000e+00 : f32
          %max3A_204 = vector.broadcast %max3A_203 : f32 to vector<16xf32>
          %max3A_205 = arith.maximumf %add3A_202, %max3A_204 : vector<16xf32>
          %swap3A_206 = arith.index_cast %scan3A_145 : i32 to index
          %swap3A_207 = arith.constant 48 : index
          %swap3A_208 = tpu.vector_load %arg16[%swap3A_206, %swap3A_207] {strides = array<i32>} : memref<64x128xf32, #tpu.memory_space<vmem>>, vector<1x16xf32>,
          %swap3A_209 = vector.shape_cast %swap3A_208 : vector<1x16xf32> to vector<16xf32>
          %swap3A_210 = vector.shape_cast %max3A_205 : vector<16xf32> to vector<1x16xf32>
          tpu.vector_store %arg16[%swap3A_206, %swap3A_207], %swap3A_210 {strides = array<i32>} : memref<64x128xf32, #tpu.memory_space<vmem>>, vector<1x16xf32>,
          %get3A_211 = arith.index_cast %scan3A_145 : i32 to index
          %get3A_212 = arith.constant 64 : index
          %get3A_213 = tpu.vector_load %arg16[%get3A_211, %get3A_212] {strides = array<i32>} : memref<64x128xf32, #tpu.memory_space<vmem>>, vector<1x16xf32>,
          %get3A_214 = vector.shape_cast %get3A_213 : vector<1x16xf32> to vector<16xf32>
          %get3A_215 = arith.index_cast %scan3A_145 : i32 to index
          %get3A_216 = arith.constant 64 : index
          %get3A_217 = tpu.vector_load %arg18[%get3A_215, %get3A_216] {strides = array<i32>} : memref<64x128xf32, #tpu.memory_space<vmem>>, vector<1x16xf32>,
          %get3A_218 = vector.shape_cast %get3A_217 : vector<1x16xf32> to vector<16xf32>
          %add3A_219 = arith.addf %get3A_214, %get3A_218 : vector<16xf32>
          %max3A_220 = arith.constant 0.000000e+00 : f32
          %max3A_221 = vector.broadcast %max3A_220 : f32 to vector<16xf32>
          %max3A_222 = arith.maximumf %add3A_219, %max3A_221 : vector<16xf32>
          %swap3A_223 = arith.index_cast %scan3A_145 : i32 to index
          %swap3A_224 = arith.constant 64 : index
          %swap3A_225 = tpu.vector_load %arg16[%swap3A_223, %swap3A_224] {strides = array<i32>} : memref<64x128xf32, #tpu.memory_space<vmem>>, vector<1x16xf32>,
          %swap3A_226 = vector.shape_cast %swap3A_225 : vector<1x16xf32> to vector<16xf32>
          %swap3A_227 = vector.shape_cast %max3A_222 : vector<16xf32> to vector<1x16xf32>
          tpu.vector_store %arg16[%swap3A_223, %swap3A_224], %swap3A_227 {strides = array<i32>} : memref<64x128xf32, #tpu.memory_space<vmem>>, vector<1x16xf32>,
          %get3A_228 = arith.index_cast %scan3A_145 : i32 to index
          %get3A_229 = arith.constant 80 : index
          %get3A_230 = tpu.vector_load %arg16[%get3A_228, %get3A_229] {strides = array<i32>} : memref<64x128xf32, #tpu.memory_space<vmem>>, vector<1x16xf32>,
          %get3A_231 = vector.shape_cast %get3A_230 : vector<1x16xf32> to vector<16xf32>
          %get3A_232 = arith.index_cast %scan3A_145 : i32 to index
          %get3A_233 = arith.constant 80 : index
          %get3A_234 = tpu.vector_load %arg18[%get3A_232, %get3A_233] {strides = array<i32>} : memref<64x128xf32, #tpu.memory_space<vmem>>, vector<1x16xf32>,
          %get3A_235 = vector.shape_cast %get3A_234 : vector<1x16xf32> to vector<16xf32>
          %add3A_236 = arith.addf %get3A_231, %get3A_235 : vector<16xf32>
          %max3A_237 = arith.constant 0.000000e+00 : f32
          %max3A_238 = vector.broadcast %max3A_237 : f32 to vector<16xf32>
          %max3A_239 = arith.maximumf %add3A_236, %max3A_238 : vector<16xf32>
          %swap3A_240 = arith.index_cast %scan3A_145 : i32 to index
          %swap3A_241 = arith.constant 80 : index
          %swap3A_242 = tpu.vector_load %arg16[%swap3A_240, %swap3A_241] {strides = array<i32>} : memref<64x128xf32, #tpu.memory_space<vmem>>, vector<1x16xf32>,
          %swap3A_243 = vector.shape_cast %swap3A_242 : vector<1x16xf32> to vector<16xf32>
          %swap3A_244 = vector.shape_cast %max3A_239 : vector<16xf32> to vector<1x16xf32>
          tpu.vector_store %arg16[%swap3A_240, %swap3A_241], %swap3A_244 {strides = array<i32>} : memref<64x128xf32, #tpu.memory_space<vmem>>, vector<1x16xf32>,
          %get3A_245 = arith.index_cast %scan3A_145 : i32 to index
          %get3A_246 = arith.constant 96 : index
          %get3A_247 = tpu.vector_load %arg16[%get3A_245, %get3A_246] {strides = array<i32>} : memref<64x128xf32, #tpu.memory_space<vmem>>, vector<1x16xf32>,
          %get3A_248 = vector.shape_cast %get3A_247 : vector<1x16xf32> to vector<16xf32>
          %get3A_249 = arith.index_cast %scan3A_145 : i32 to index
          %get3A_250 = arith.constant 96 : index
          %get3A_251 = tpu.vector_load %arg18[%get3A_249, %get3A_250] {strides = array<i32>} : memref<64x128xf32, #tpu.memory_space<vmem>>, vector<1x16xf32>,
          %get3A_252 = vector.shape_cast %get3A_251 : vector<1x16xf32> to vector<16xf32>
          %add3A_253 = arith.addf %get3A_248, %get3A_252 : vector<16xf32>
          %max3A_254 = arith.constant 0.000000e+00 : f32
          %max3A_255 = vector.broadcast %max3A_254 : f32 to vector<16xf32>
          %max3A_256 = arith.maximumf %add3A_253, %max3A_255 : vector<16xf32>
          %swap3A_257 = arith.index_cast %scan3A_145 : i32 to index
          %swap3A_258 = arith.constant 96 : index
          %swap3A_259 = tpu.vector_load %arg16[%swap3A_257, %swap3A_258] {strides = array<i32>} : memref<64x128xf32, #tpu.memory_space<vmem>>, vector<1x16xf32>,
          %swap3A_260 = vector.shape_cast %swap3A_259 : vector<1x16xf32> to vector<16xf32>
          %swap3A_261 = vector.shape_cast %max3A_256 : vector<16xf32> to vector<1x16xf32>
          tpu.vector_store %arg16[%swap3A_257, %swap3A_258], %swap3A_261 {strides = array<i32>} : memref<64x128xf32, #tpu.memory_space<vmem>>, vector<1x16xf32>,
          %get3A_262 = arith.index_cast %scan3A_145 : i32 to index
          %get3A_263 = arith.constant 112 : index
          %get3A_264 = tpu.vector_load %arg16[%get3A_262, %get3A_263] {strides = array<i32>} : memref<64x128xf32, #tpu.memory_space<vmem>>, vector<1x16xf32>,
          %get3A_265 = vector.shape_cast %get3A_264 : vector<1x16xf32> to vector<16xf32>
          %get3A_266 = arith.index_cast %scan3A_145 : i32 to index
          %get3A_267 = arith.constant 112 : index
          %get3A_268 = tpu.vector_load %arg18[%get3A_266, %get3A_267] {strides = array<i32>} : memref<64x128xf32, #tpu.memory_space<vmem>>, vector<1x16xf32>,
          %get3A_269 = vector.shape_cast %get3A_268 : vector<1x16xf32> to vector<16xf32>
          %add3A_270 = arith.addf %get3A_265, %get3A_269 : vector<16xf32>
          %max3A_271 = arith.constant 0.000000e+00 : f32
          %max3A_272 = vector.broadcast %max3A_271 : f32 to vector<16xf32>
          %max3A_273 = arith.maximumf %add3A_270, %max3A_272 : vector<16xf32>
          %swap3A_274 = arith.index_cast %scan3A_145 : i32 to index
          %swap3A_275 = arith.constant 112 : index
          %swap3A_276 = tpu.vector_load %arg16[%swap3A_274, %swap3A_275] {strides = array<i32>} : memref<64x128xf32, #tpu.memory_space<vmem>>, vector<1x16xf32>,
          %swap3A_277 = vector.shape_cast %swap3A_276 : vector<1x16xf32> to vector<16xf32>
          %swap3A_278 = vector.shape_cast %max3A_273 : vector<16xf32> to vector<1x16xf32>
          tpu.vector_store %arg16[%swap3A_274, %swap3A_275], %swap3A_278 {strides = array<i32>} : memref<64x128xf32, #tpu.memory_space<vmem>>, vector<1x16xf32>,
        }
        %scan3A_144 = arith.constant 64 : i32
        "tpu.region"() ({
          %run_scoped3A = tpu.sem_alloc : memref<!tpu.dma_semaphore, #tpu.memory_space<semaphore_mem>>
          %dma_start3A_145 = arith.constant 0 : i32
          %dma_start3A_146 = arith.constant 0 : i32
          %dma_start3A_147 = tpu.memref_slice %arg20[%dma_start3A_145, %dma_start3A_146] : memref<10240x128xf32, #tpu.memory_space<vmem_shared>> -> memref<10240x128xf32, #tpu.memory_space<vmem_shared>>
          tpu.enqueue_indirect_dma source(%arg16 : memref<64x128xf32, #tpu.memory_space<vmem>>) target(%dma_start3A_147 : memref<10240x128xf32, #tpu.memory_space<vmem_shared>>) offsets(%arg12 : memref<64xi32, #tpu.memory_space<vmem>>) semaphore(%run_scoped3A : memref<!tpu.dma_semaphore, #tpu.memory_space<semaphore_mem>>) {add = true}
          %dma_wait3A_148 = arith.constant 0 : i32
          %dma_wait3A_149 = arith.constant 0 : i32
          %dma_wait3A_150 = tpu.memref_slice %arg20[%dma_wait3A_148, %dma_wait3A_149] : memref<10240x128xf32, #tpu.memory_space<vmem_shared>> -> memref<10240x128xf32, #tpu.memory_space<vmem_shared>>
          tpu.wait_indirect_dma semaphore(%run_scoped3A : memref<!tpu.dma_semaphore, #tpu.memory_space<semaphore_mem>>) src(%arg16 : memref<64x128xf32, #tpu.memory_space<vmem>>) dst(%dma_wait3A_150 : memref<10240x128xf32, #tpu.memory_space<vmem_shared>>)
          tpu.yield
        }) : () -> ()
      } else {
      }
      %jit3A_53 = arith.constant 4 : i32
      %eq3A_54 = arith.constant 0 : i32
      %eq3A_55 = arith.cmpi eq, %jit3A_53, %eq3A_54 : i32
      %jit3A_56 = arith.constant 1 : i32
      %select_n3A_57 = arith.select %eq3A_55, %jit3A_56, %jit3A_53 : i32
      %rem3A_58 = arith.remsi %scan3A_40, %select_n3A_57 : i32
      %ne3A_59 = arith.constant 0 : i32
      %ne3A_60 = arith.cmpi ne, %rem3A_58, %ne3A_59 : i32
      %lt3A_61 = arith.constant 0 : i32
      %lt3A_62 = arith.cmpi slt, %rem3A_58, %lt3A_61 : i32
      %lt3A_63 = arith.constant 0 : i32
      %lt3A_64 = arith.cmpi slt, %select_n3A_57, %lt3A_63 : i32
      %ne3A_65 = arith.xori %lt3A_62, %lt3A_64 : i1
      %and3A_66 = arith.andi %ne3A_65, %ne3A_60 : i1
      %add3A_67 = arith.addi %rem3A_58, %select_n3A_57 : i32
      %select_n3A_68 = arith.select %and3A_66, %add3A_67, %rem3A_58 : i32
      %eq3A_69 = arith.constant 1 : i32
      %eq3A_70 = arith.cmpi eq, %select_n3A_68, %eq3A_69 : i32
      %convert_element_type3A_71 = arith.extui %eq3A_70 : i1 to i32
      %cond3A_72 = arith.constant 0 : i32
      %cond3A_73 = arith.cmpi ne, %convert_element_type3A_71, %cond3A_72 : i32
      scf.if %cond3A_73 {
        %add3A_116 = arith.constant 1 : i32
        %add3A_117 = arith.addi %scan3A_40, %add3A_116 : i32
        %lt3A_118 = arith.constant 160 : i32
        %lt3A_119 = arith.cmpi slt, %add3A_117, %lt3A_118 : i32
        %convert_element_type3A_120 = arith.extui %lt3A_119 : i1 to i32
        %cond3A_121 = arith.constant 0 : i32
        %cond3A_122 = arith.cmpi ne, %convert_element_type3A_120, %cond3A_121 : i32
        scf.if %cond3A_122 {
          %add3A_145 = arith.constant 1 : i32
          %add3A_146 = arith.addi %scan3A_40, %add3A_145 : i32
          %mul3A_147 = arith.constant 64 : i32
          %mul3A_148 = arith.muli %add3A_146, %mul3A_147 : i32
          %add3A_149 = arith.addi %add3A, %mul3A_148 : i32
          %dma_wait3A_150 = tpu.memref_slice %arg4[%add3A_149] : memref<327680xi32, #tpu.memory_space<hbm>> -> memref<64xi32, #tpu.memory_space<hbm>>
          %dma_wait3A_151 = tpu.memref_slice %arg4[%add3A_149] : memref<327680xi32, #tpu.memory_space<hbm>> -> memref<64xi32, #tpu.memory_space<hbm>>
          tpu.wait_dma2 semaphore(%arg23 : memref<!tpu.dma_semaphore, #tpu.memory_space<semaphore_mem>>) src(%dma_wait3A_151 : memref<64xi32, #tpu.memory_space<hbm>>) dst(%arg10 : memref<64xi32, #tpu.memory_space<vmem>>)
          %mul3A_152 = arith.constant 10240 : i32
          %mul3A_153 = arith.muli %arg1, %mul3A_152 : i32
          %add3A_154 = arith.addi %mul3A_153, %mul3A_148 : i32
          %dma_wait3A_155 = tpu.memref_slice %arg5[%add3A_154] : memref<163840xi32, #tpu.memory_space<hbm>> -> memref<64xi32, #tpu.memory_space<hbm>>
          %dma_wait3A_156 = tpu.memref_slice %arg5[%add3A_154] : memref<163840xi32, #tpu.memory_space<hbm>> -> memref<64xi32, #tpu.memory_space<hbm>>
          tpu.wait_dma2 semaphore(%arg23 : memref<!tpu.dma_semaphore, #tpu.memory_space<semaphore_mem>>) src(%dma_wait3A_156 : memref<64xi32, #tpu.memory_space<hbm>>) dst(%arg14 : memref<64xi32, #tpu.memory_space<vmem>>)
          %add3A_157 = arith.constant 1 : i32
          %add3A_158 = arith.addi %scan3A_40, %add3A_157 : i32
          %dma_start3A_159 = arith.constant 0 : i32
          %dma_start3A_160 = arith.constant 0 : i32
          %dma_start3A_161 = tpu.memref_slice %arg2[%dma_start3A_159, %dma_start3A_160] : memref<20000x128xf32, #tpu.memory_space<hbm>> -> memref<20000x128xf32, #tpu.memory_space<hbm>>
          tpu.enqueue_indirect_dma source(%dma_start3A_161 : memref<20000x128xf32, #tpu.memory_space<hbm>>) target(%arg16 : memref<64x128xf32, #tpu.memory_space<vmem>>) offsets(%arg10 : memref<64xi32, #tpu.memory_space<vmem>>) semaphore(%arg25 : memref<!tpu.dma_semaphore, #tpu.memory_space<semaphore_mem>>)
          %mul3A_162 = arith.constant 64 : i32
          %mul3A_163 = arith.muli %add3A_158, %mul3A_162 : i32
          %add3A_164 = arith.addi %add3A, %mul3A_163 : i32
          %dma_start3A_165 = arith.constant 0 : i32
          %dma_start3A_166 = tpu.memref_slice %arg3[%add3A_164, %dma_start3A_165] : memref<327680x128xf32, #tpu.memory_space<hbm>> -> memref<64x128xf32, #tpu.memory_space<hbm>>
          %dma_start3A_167 = arith.constant 0 : i32
          %dma_start3A_168 = tpu.memref_slice %arg3[%add3A_164, %dma_start3A_167] : memref<327680x128xf32, #tpu.memory_space<hbm>> -> memref<64x128xf32, #tpu.memory_space<hbm>>
          tpu.enqueue_dma source(%dma_start3A_168 : memref<64x128xf32, #tpu.memory_space<hbm>>) target(%arg18 : memref<64x128xf32, #tpu.memory_space<vmem>>) target_semaphore(%arg27 : memref<!tpu.dma_semaphore, #tpu.memory_space<semaphore_mem>>)
        } else {
        }
        %add3A_123 = arith.constant 2 : i32
        %add3A_124 = arith.addi %scan3A_40, %add3A_123 : i32
        %lt3A_125 = arith.constant 160 : i32
        %lt3A_126 = arith.cmpi slt, %add3A_124, %lt3A_125 : i32
        %convert_element_type3A_127 = arith.extui %lt3A_126 : i1 to i32
        %cond3A_128 = arith.constant 0 : i32
        %cond3A_129 = arith.cmpi ne, %convert_element_type3A_127, %cond3A_128 : i32
        scf.if %cond3A_129 {
          %add3A_145 = arith.constant 2 : i32
          %add3A_146 = arith.addi %scan3A_40, %add3A_145 : i32
          %mul3A_147 = arith.constant 64 : i32
          %mul3A_148 = arith.muli %add3A_146, %mul3A_147 : i32
          %add3A_149 = arith.addi %add3A, %mul3A_148 : i32
          %dma_start3A_150 = tpu.memref_slice %arg4[%add3A_149] : memref<327680xi32, #tpu.memory_space<hbm>> -> memref<64xi32, #tpu.memory_space<hbm>>
          %dma_start3A_151 = tpu.memref_slice %arg4[%add3A_149] : memref<327680xi32, #tpu.memory_space<hbm>> -> memref<64xi32, #tpu.memory_space<hbm>>
          tpu.enqueue_dma source(%dma_start3A_151 : memref<64xi32, #tpu.memory_space<hbm>>) target(%arg11 : memref<64xi32, #tpu.memory_space<vmem>>) target_semaphore(%arg24 : memref<!tpu.dma_semaphore, #tpu.memory_space<semaphore_mem>>)
          %mul3A_152 = arith.constant 10240 : i32
          %mul3A_153 = arith.muli %arg1, %mul3A_152 : i32
          %add3A_154 = arith.addi %mul3A_153, %mul3A_148 : i32
          %dma_start3A_155 = tpu.memref_slice %arg5[%add3A_154] : memref<163840xi32, #tpu.memory_space<hbm>> -> memref<64xi32, #tpu.memory_space<hbm>>
          %dma_start3A_156 = tpu.memref_slice %arg5[%add3A_154] : memref<163840xi32, #tpu.memory_space<hbm>> -> memref<64xi32, #tpu.memory_space<hbm>>
          tpu.enqueue_dma source(%dma_start3A_156 : memref<64xi32, #tpu.memory_space<hbm>>) target(%arg15 : memref<64xi32, #tpu.memory_space<vmem>>) target_semaphore(%arg24 : memref<!tpu.dma_semaphore, #tpu.memory_space<semaphore_mem>>)
        } else {
        }
        %dma_wait3A = arith.constant 0 : i32
        %dma_wait3A_130 = arith.constant 0 : i32
        %dma_wait3A_131 = tpu.memref_slice %arg2[%dma_wait3A, %dma_wait3A_130] : memref<20000x128xf32, #tpu.memory_space<hbm>> -> memref<20000x128xf32, #tpu.memory_space<hbm>>
        tpu.wait_indirect_dma semaphore(%arg26 : memref<!tpu.dma_semaphore, #tpu.memory_space<semaphore_mem>>) src(%dma_wait3A_131 : memref<20000x128xf32, #tpu.memory_space<hbm>>) dst(%arg17 : memref<64x128xf32, #tpu.memory_space<vmem>>)
        %mul3A_132 = arith.constant 64 : i32
        %mul3A_133 = arith.muli %scan3A_40, %mul3A_132 : i32
        %add3A_134 = arith.addi %add3A, %mul3A_133 : i32
        %dma_wait3A_135 = arith.constant 0 : i32
        %dma_wait3A_136 = tpu.memref_slice %arg3[%add3A_134, %dma_wait3A_135] : memref<327680x128xf32, #tpu.memory_space<hbm>> -> memref<64x128xf32, #tpu.memory_space<hbm>>
        %dma_wait3A_137 = arith.constant 0 : i32
        %dma_wait3A_138 = tpu.memref_slice %arg3[%add3A_134, %dma_wait3A_137] : memref<327680x128xf32, #tpu.memory_space<hbm>> -> memref<64x128xf32, #tpu.memory_space<hbm>>
        tpu.wait_dma2 semaphore(%arg28 : memref<!tpu.dma_semaphore, #tpu.memory_space<semaphore_mem>>) src(%dma_wait3A_138 : memref<64x128xf32, #tpu.memory_space<hbm>>) dst(%arg19 : memref<64x128xf32, #tpu.memory_space<vmem>>)
        %scan3A_139 = arith.constant 0 : i32
        %scan3A_140 = arith.constant 0 : i32
        %scan3A_141 = arith.constant 64 : i32
        %scan3A_142 = arith.addi %scan3A_140, %scan3A_141 : i32
        %scan3A_143 = arith.constant 1 : i32
        scf.for %scan3A_145 = %scan3A_140 to %scan3A_142 step %scan3A_143  : i32 {
          %get3A = arith.index_cast %scan3A_145 : i32 to index
          %get3A_146 = arith.constant 0 : index
          %get3A_147 = tpu.vector_load %arg17[%get3A, %get3A_146] {strides = array<i32>} : memref<64x128xf32, #tpu.memory_space<vmem>>, vector<1x16xf32>,
          %get3A_148 = vector.shape_cast %get3A_147 : vector<1x16xf32> to vector<16xf32>
          %get3A_149 = arith.index_cast %scan3A_145 : i32 to index
          %get3A_150 = arith.constant 0 : index
          %get3A_151 = tpu.vector_load %arg19[%get3A_149, %get3A_150] {strides = array<i32>} : memref<64x128xf32, #tpu.memory_space<vmem>>, vector<1x16xf32>,
          %get3A_152 = vector.shape_cast %get3A_151 : vector<1x16xf32> to vector<16xf32>
          %add3A_153 = arith.addf %get3A_148, %get3A_152 : vector<16xf32>
          %max3A = arith.constant 0.000000e+00 : f32
          %max3A_154 = vector.broadcast %max3A : f32 to vector<16xf32>
          %max3A_155 = arith.maximumf %add3A_153, %max3A_154 : vector<16xf32>
          %swap3A = arith.index_cast %scan3A_145 : i32 to index
          %swap3A_156 = arith.constant 0 : index
          %swap3A_157 = tpu.vector_load %arg17[%swap3A, %swap3A_156] {strides = array<i32>} : memref<64x128xf32, #tpu.memory_space<vmem>>, vector<1x16xf32>,
          %swap3A_158 = vector.shape_cast %swap3A_157 : vector<1x16xf32> to vector<16xf32>
          %swap3A_159 = vector.shape_cast %max3A_155 : vector<16xf32> to vector<1x16xf32>
          tpu.vector_store %arg17[%swap3A, %swap3A_156], %swap3A_159 {strides = array<i32>} : memref<64x128xf32, #tpu.memory_space<vmem>>, vector<1x16xf32>,
          %get3A_160 = arith.index_cast %scan3A_145 : i32 to index
          %get3A_161 = arith.constant 16 : index
          %get3A_162 = tpu.vector_load %arg17[%get3A_160, %get3A_161] {strides = array<i32>} : memref<64x128xf32, #tpu.memory_space<vmem>>, vector<1x16xf32>,
          %get3A_163 = vector.shape_cast %get3A_162 : vector<1x16xf32> to vector<16xf32>
          %get3A_164 = arith.index_cast %scan3A_145 : i32 to index
          %get3A_165 = arith.constant 16 : index
          %get3A_166 = tpu.vector_load %arg19[%get3A_164, %get3A_165] {strides = array<i32>} : memref<64x128xf32, #tpu.memory_space<vmem>>, vector<1x16xf32>,
          %get3A_167 = vector.shape_cast %get3A_166 : vector<1x16xf32> to vector<16xf32>
          %add3A_168 = arith.addf %get3A_163, %get3A_167 : vector<16xf32>
          %max3A_169 = arith.constant 0.000000e+00 : f32
          %max3A_170 = vector.broadcast %max3A_169 : f32 to vector<16xf32>
          %max3A_171 = arith.maximumf %add3A_168, %max3A_170 : vector<16xf32>
          %swap3A_172 = arith.index_cast %scan3A_145 : i32 to index
          %swap3A_173 = arith.constant 16 : index
          %swap3A_174 = tpu.vector_load %arg17[%swap3A_172, %swap3A_173] {strides = array<i32>} : memref<64x128xf32, #tpu.memory_space<vmem>>, vector<1x16xf32>,
          %swap3A_175 = vector.shape_cast %swap3A_174 : vector<1x16xf32> to vector<16xf32>
          %swap3A_176 = vector.shape_cast %max3A_171 : vector<16xf32> to vector<1x16xf32>
          tpu.vector_store %arg17[%swap3A_172, %swap3A_173], %swap3A_176 {strides = array<i32>} : memref<64x128xf32, #tpu.memory_space<vmem>>, vector<1x16xf32>,
          %get3A_177 = arith.index_cast %scan3A_145 : i32 to index
          %get3A_178 = arith.constant 32 : index
          %get3A_179 = tpu.vector_load %arg17[%get3A_177, %get3A_178] {strides = array<i32>} : memref<64x128xf32, #tpu.memory_space<vmem>>, vector<1x16xf32>,
          %get3A_180 = vector.shape_cast %get3A_179 : vector<1x16xf32> to vector<16xf32>
          %get3A_181 = arith.index_cast %scan3A_145 : i32 to index
          %get3A_182 = arith.constant 32 : index
          %get3A_183 = tpu.vector_load %arg19[%get3A_181, %get3A_182] {strides = array<i32>} : memref<64x128xf32, #tpu.memory_space<vmem>>, vector<1x16xf32>,
          %get3A_184 = vector.shape_cast %get3A_183 : vector<1x16xf32> to vector<16xf32>
          %add3A_185 = arith.addf %get3A_180, %get3A_184 : vector<16xf32>
          %max3A_186 = arith.constant 0.000000e+00 : f32
          %max3A_187 = vector.broadcast %max3A_186 : f32 to vector<16xf32>
          %max3A_188 = arith.maximumf %add3A_185, %max3A_187 : vector<16xf32>
          %swap3A_189 = arith.index_cast %scan3A_145 : i32 to index
          %swap3A_190 = arith.constant 32 : index
          %swap3A_191 = tpu.vector_load %arg17[%swap3A_189, %swap3A_190] {strides = array<i32>} : memref<64x128xf32, #tpu.memory_space<vmem>>, vector<1x16xf32>,
          %swap3A_192 = vector.shape_cast %swap3A_191 : vector<1x16xf32> to vector<16xf32>
          %swap3A_193 = vector.shape_cast %max3A_188 : vector<16xf32> to vector<1x16xf32>
          tpu.vector_store %arg17[%swap3A_189, %swap3A_190], %swap3A_193 {strides = array<i32>} : memref<64x128xf32, #tpu.memory_space<vmem>>, vector<1x16xf32>,
          %get3A_194 = arith.index_cast %scan3A_145 : i32 to index
          %get3A_195 = arith.constant 48 : index
          %get3A_196 = tpu.vector_load %arg17[%get3A_194, %get3A_195] {strides = array<i32>} : memref<64x128xf32, #tpu.memory_space<vmem>>, vector<1x16xf32>,
          %get3A_197 = vector.shape_cast %get3A_196 : vector<1x16xf32> to vector<16xf32>
          %get3A_198 = arith.index_cast %scan3A_145 : i32 to index
          %get3A_199 = arith.constant 48 : index
          %get3A_200 = tpu.vector_load %arg19[%get3A_198, %get3A_199] {strides = array<i32>} : memref<64x128xf32, #tpu.memory_space<vmem>>, vector<1x16xf32>,
          %get3A_201 = vector.shape_cast %get3A_200 : vector<1x16xf32> to vector<16xf32>
          %add3A_202 = arith.addf %get3A_197, %get3A_201 : vector<16xf32>
          %max3A_203 = arith.constant 0.000000e+00 : f32
          %max3A_204 = vector.broadcast %max3A_203 : f32 to vector<16xf32>
          %max3A_205 = arith.maximumf %add3A_202, %max3A_204 : vector<16xf32>
          %swap3A_206 = arith.index_cast %scan3A_145 : i32 to index
          %swap3A_207 = arith.constant 48 : index
          %swap3A_208 = tpu.vector_load %arg17[%swap3A_206, %swap3A_207] {strides = array<i32>} : memref<64x128xf32, #tpu.memory_space<vmem>>, vector<1x16xf32>,
          %swap3A_209 = vector.shape_cast %swap3A_208 : vector<1x16xf32> to vector<16xf32>
          %swap3A_210 = vector.shape_cast %max3A_205 : vector<16xf32> to vector<1x16xf32>
          tpu.vector_store %arg17[%swap3A_206, %swap3A_207], %swap3A_210 {strides = array<i32>} : memref<64x128xf32, #tpu.memory_space<vmem>>, vector<1x16xf32>,
          %get3A_211 = arith.index_cast %scan3A_145 : i32 to index
          %get3A_212 = arith.constant 64 : index
          %get3A_213 = tpu.vector_load %arg17[%get3A_211, %get3A_212] {strides = array<i32>} : memref<64x128xf32, #tpu.memory_space<vmem>>, vector<1x16xf32>,
          %get3A_214 = vector.shape_cast %get3A_213 : vector<1x16xf32> to vector<16xf32>
          %get3A_215 = arith.index_cast %scan3A_145 : i32 to index
          %get3A_216 = arith.constant 64 : index
          %get3A_217 = tpu.vector_load %arg19[%get3A_215, %get3A_216] {strides = array<i32>} : memref<64x128xf32, #tpu.memory_space<vmem>>, vector<1x16xf32>,
          %get3A_218 = vector.shape_cast %get3A_217 : vector<1x16xf32> to vector<16xf32>
          %add3A_219 = arith.addf %get3A_214, %get3A_218 : vector<16xf32>
          %max3A_220 = arith.constant 0.000000e+00 : f32
          %max3A_221 = vector.broadcast %max3A_220 : f32 to vector<16xf32>
          %max3A_222 = arith.maximumf %add3A_219, %max3A_221 : vector<16xf32>
          %swap3A_223 = arith.index_cast %scan3A_145 : i32 to index
          %swap3A_224 = arith.constant 64 : index
          %swap3A_225 = tpu.vector_load %arg17[%swap3A_223, %swap3A_224] {strides = array<i32>} : memref<64x128xf32, #tpu.memory_space<vmem>>, vector<1x16xf32>,
          %swap3A_226 = vector.shape_cast %swap3A_225 : vector<1x16xf32> to vector<16xf32>
          %swap3A_227 = vector.shape_cast %max3A_222 : vector<16xf32> to vector<1x16xf32>
          tpu.vector_store %arg17[%swap3A_223, %swap3A_224], %swap3A_227 {strides = array<i32>} : memref<64x128xf32, #tpu.memory_space<vmem>>, vector<1x16xf32>,
          %get3A_228 = arith.index_cast %scan3A_145 : i32 to index
          %get3A_229 = arith.constant 80 : index
          %get3A_230 = tpu.vector_load %arg17[%get3A_228, %get3A_229] {strides = array<i32>} : memref<64x128xf32, #tpu.memory_space<vmem>>, vector<1x16xf32>,
          %get3A_231 = vector.shape_cast %get3A_230 : vector<1x16xf32> to vector<16xf32>
          %get3A_232 = arith.index_cast %scan3A_145 : i32 to index
          %get3A_233 = arith.constant 80 : index
          %get3A_234 = tpu.vector_load %arg19[%get3A_232, %get3A_233] {strides = array<i32>} : memref<64x128xf32, #tpu.memory_space<vmem>>, vector<1x16xf32>,
          %get3A_235 = vector.shape_cast %get3A_234 : vector<1x16xf32> to vector<16xf32>
          %add3A_236 = arith.addf %get3A_231, %get3A_235 : vector<16xf32>
          %max3A_237 = arith.constant 0.000000e+00 : f32
          %max3A_238 = vector.broadcast %max3A_237 : f32 to vector<16xf32>
          %max3A_239 = arith.maximumf %add3A_236, %max3A_238 : vector<16xf32>
          %swap3A_240 = arith.index_cast %scan3A_145 : i32 to index
          %swap3A_241 = arith.constant 80 : index
          %swap3A_242 = tpu.vector_load %arg17[%swap3A_240, %swap3A_241] {strides = array<i32>} : memref<64x128xf32, #tpu.memory_space<vmem>>, vector<1x16xf32>,
          %swap3A_243 = vector.shape_cast %swap3A_242 : vector<1x16xf32> to vector<16xf32>
          %swap3A_244 = vector.shape_cast %max3A_239 : vector<16xf32> to vector<1x16xf32>
          tpu.vector_store %arg17[%swap3A_240, %swap3A_241], %swap3A_244 {strides = array<i32>} : memref<64x128xf32, #tpu.memory_space<vmem>>, vector<1x16xf32>,
          %get3A_245 = arith.index_cast %scan3A_145 : i32 to index
          %get3A_246 = arith.constant 96 : index
          %get3A_247 = tpu.vector_load %arg17[%get3A_245, %get3A_246] {strides = array<i32>} : memref<64x128xf32, #tpu.memory_space<vmem>>, vector<1x16xf32>,
          %get3A_248 = vector.shape_cast %get3A_247 : vector<1x16xf32> to vector<16xf32>
          %get3A_249 = arith.index_cast %scan3A_145 : i32 to index
          %get3A_250 = arith.constant 96 : index
          %get3A_251 = tpu.vector_load %arg19[%get3A_249, %get3A_250] {strides = array<i32>} : memref<64x128xf32, #tpu.memory_space<vmem>>, vector<1x16xf32>,
          %get3A_252 = vector.shape_cast %get3A_251 : vector<1x16xf32> to vector<16xf32>
          %add3A_253 = arith.addf %get3A_248, %get3A_252 : vector<16xf32>
          %max3A_254 = arith.constant 0.000000e+00 : f32
          %max3A_255 = vector.broadcast %max3A_254 : f32 to vector<16xf32>
          %max3A_256 = arith.maximumf %add3A_253, %max3A_255 : vector<16xf32>
          %swap3A_257 = arith.index_cast %scan3A_145 : i32 to index
          %swap3A_258 = arith.constant 96 : index
          %swap3A_259 = tpu.vector_load %arg17[%swap3A_257, %swap3A_258] {strides = array<i32>} : memref<64x128xf32, #tpu.memory_space<vmem>>, vector<1x16xf32>,
          %swap3A_260 = vector.shape_cast %swap3A_259 : vector<1x16xf32> to vector<16xf32>
          %swap3A_261 = vector.shape_cast %max3A_256 : vector<16xf32> to vector<1x16xf32>
          tpu.vector_store %arg17[%swap3A_257, %swap3A_258], %swap3A_261 {strides = array<i32>} : memref<64x128xf32, #tpu.memory_space<vmem>>, vector<1x16xf32>,
          %get3A_262 = arith.index_cast %scan3A_145 : i32 to index
          %get3A_263 = arith.constant 112 : index
          %get3A_264 = tpu.vector_load %arg17[%get3A_262, %get3A_263] {strides = array<i32>} : memref<64x128xf32, #tpu.memory_space<vmem>>, vector<1x16xf32>,
          %get3A_265 = vector.shape_cast %get3A_264 : vector<1x16xf32> to vector<16xf32>
          %get3A_266 = arith.index_cast %scan3A_145 : i32 to index
          %get3A_267 = arith.constant 112 : index
          %get3A_268 = tpu.vector_load %arg19[%get3A_266, %get3A_267] {strides = array<i32>} : memref<64x128xf32, #tpu.memory_space<vmem>>, vector<1x16xf32>,
          %get3A_269 = vector.shape_cast %get3A_268 : vector<1x16xf32> to vector<16xf32>
          %add3A_270 = arith.addf %get3A_265, %get3A_269 : vector<16xf32>
          %max3A_271 = arith.constant 0.000000e+00 : f32
          %max3A_272 = vector.broadcast %max3A_271 : f32 to vector<16xf32>
          %max3A_273 = arith.maximumf %add3A_270, %max3A_272 : vector<16xf32>
          %swap3A_274 = arith.index_cast %scan3A_145 : i32 to index
          %swap3A_275 = arith.constant 112 : index
          %swap3A_276 = tpu.vector_load %arg17[%swap3A_274, %swap3A_275] {strides = array<i32>} : memref<64x128xf32, #tpu.memory_space<vmem>>, vector<1x16xf32>,
          %swap3A_277 = vector.shape_cast %swap3A_276 : vector<1x16xf32> to vector<16xf32>
          %swap3A_278 = vector.shape_cast %max3A_273 : vector<16xf32> to vector<1x16xf32>
          tpu.vector_store %arg17[%swap3A_274, %swap3A_275], %swap3A_278 {strides = array<i32>} : memref<64x128xf32, #tpu.memory_space<vmem>>, vector<1x16xf32>,
        }
        %scan3A_144 = arith.constant 64 : i32
        "tpu.region"() ({
          %run_scoped3A = tpu.sem_alloc : memref<!tpu.dma_semaphore, #tpu.memory_space<semaphore_mem>>
          %dma_start3A_145 = arith.constant 0 : i32
          %dma_start3A_146 = arith.constant 0 : i32
          %dma_start3A_147 = tpu.memref_slice %arg20[%dma_start3A_145, %dma_start3A_146] : memref<10240x128xf32, #tpu.memory_space<vmem_shared>> -> memref<10240x128xf32, #tpu.memory_space<vmem_shared>>
          tpu.enqueue_indirect_dma source(%arg17 : memref<64x128xf32, #tpu.memory_space<vmem>>) target(%dma_start3A_147 : memref<10240x128xf32, #tpu.memory_space<vmem_shared>>) offsets(%arg13 : memref<64xi32, #tpu.memory_space<vmem>>) semaphore(%run_scoped3A : memref<!tpu.dma_semaphore, #tpu.memory_space<semaphore_mem>>) {add = true}
          %dma_wait3A_148 = arith.constant 0 : i32
          %dma_wait3A_149 = arith.constant 0 : i32
          %dma_wait3A_150 = tpu.memref_slice %arg20[%dma_wait3A_148, %dma_wait3A_149] : memref<10240x128xf32, #tpu.memory_space<vmem_shared>> -> memref<10240x128xf32, #tpu.memory_space<vmem_shared>>
          tpu.wait_indirect_dma semaphore(%run_scoped3A : memref<!tpu.dma_semaphore, #tpu.memory_space<semaphore_mem>>) src(%arg17 : memref<64x128xf32, #tpu.memory_space<vmem>>) dst(%dma_wait3A_150 : memref<10240x128xf32, #tpu.memory_space<vmem_shared>>)
          tpu.yield
        }) : () -> ()
      } else {
      }
      %jit3A_74 = arith.constant 4 : i32
      %eq3A_75 = arith.constant 0 : i32
      %eq3A_76 = arith.cmpi eq, %jit3A_74, %eq3A_75 : i32
      %jit3A_77 = arith.constant 1 : i32
      %select_n3A_78 = arith.select %eq3A_76, %jit3A_77, %jit3A_74 : i32
      %rem3A_79 = arith.remsi %scan3A_40, %select_n3A_78 : i32
      %ne3A_80 = arith.constant 0 : i32
      %ne3A_81 = arith.cmpi ne, %rem3A_79, %ne3A_80 : i32
      %lt3A_82 = arith.constant 0 : i32
      %lt3A_83 = arith.cmpi slt, %rem3A_79, %lt3A_82 : i32
      %lt3A_84 = arith.constant 0 : i32
      %lt3A_85 = arith.cmpi slt, %select_n3A_78, %lt3A_84 : i32
      %ne3A_86 = arith.xori %lt3A_83, %lt3A_85 : i1
      %and3A_87 = arith.andi %ne3A_86, %ne3A_81 : i1
      %add3A_88 = arith.addi %rem3A_79, %select_n3A_78 : i32
      %select_n3A_89 = arith.select %and3A_87, %add3A_88, %rem3A_79 : i32
      %eq3A_90 = arith.constant 2 : i32
      %eq3A_91 = arith.cmpi eq, %select_n3A_89, %eq3A_90 : i32
      %convert_element_type3A_92 = arith.extui %eq3A_91 : i1 to i32
      %cond3A_93 = arith.constant 0 : i32
      %cond3A_94 = arith.cmpi ne, %convert_element_type3A_92, %cond3A_93 : i32
      scf.if %cond3A_94 {
        %add3A_116 = arith.constant 1 : i32
        %add3A_117 = arith.addi %scan3A_40, %add3A_116 : i32
        %lt3A_118 = arith.constant 160 : i32
        %lt3A_119 = arith.cmpi slt, %add3A_117, %lt3A_118 : i32
        %convert_element_type3A_120 = arith.extui %lt3A_119 : i1 to i32
        %cond3A_121 = arith.constant 0 : i32
        %cond3A_122 = arith.cmpi ne, %convert_element_type3A_120, %cond3A_121 : i32
        scf.if %cond3A_122 {
          %add3A_145 = arith.constant 1 : i32
          %add3A_146 = arith.addi %scan3A_40, %add3A_145 : i32
          %mul3A_147 = arith.constant 64 : i32
          %mul3A_148 = arith.muli %add3A_146, %mul3A_147 : i32
          %add3A_149 = arith.addi %add3A, %mul3A_148 : i32
          %dma_wait3A_150 = tpu.memref_slice %arg4[%add3A_149] : memref<327680xi32, #tpu.memory_space<hbm>> -> memref<64xi32, #tpu.memory_space<hbm>>
          %dma_wait3A_151 = tpu.memref_slice %arg4[%add3A_149] : memref<327680xi32, #tpu.memory_space<hbm>> -> memref<64xi32, #tpu.memory_space<hbm>>
          tpu.wait_dma2 semaphore(%arg24 : memref<!tpu.dma_semaphore, #tpu.memory_space<semaphore_mem>>) src(%dma_wait3A_151 : memref<64xi32, #tpu.memory_space<hbm>>) dst(%arg11 : memref<64xi32, #tpu.memory_space<vmem>>)
          %mul3A_152 = arith.constant 10240 : i32
          %mul3A_153 = arith.muli %arg1, %mul3A_152 : i32
          %add3A_154 = arith.addi %mul3A_153, %mul3A_148 : i32
          %dma_wait3A_155 = tpu.memref_slice %arg5[%add3A_154] : memref<163840xi32, #tpu.memory_space<hbm>> -> memref<64xi32, #tpu.memory_space<hbm>>
          %dma_wait3A_156 = tpu.memref_slice %arg5[%add3A_154] : memref<163840xi32, #tpu.memory_space<hbm>> -> memref<64xi32, #tpu.memory_space<hbm>>
          tpu.wait_dma2 semaphore(%arg24 : memref<!tpu.dma_semaphore, #tpu.memory_space<semaphore_mem>>) src(%dma_wait3A_156 : memref<64xi32, #tpu.memory_space<hbm>>) dst(%arg15 : memref<64xi32, #tpu.memory_space<vmem>>)
          %add3A_157 = arith.constant 1 : i32
          %add3A_158 = arith.addi %scan3A_40, %add3A_157 : i32
          %dma_start3A_159 = arith.constant 0 : i32
          %dma_start3A_160 = arith.constant 0 : i32
          %dma_start3A_161 = tpu.memref_slice %arg2[%dma_start3A_159, %dma_start3A_160] : memref<20000x128xf32, #tpu.memory_space<hbm>> -> memref<20000x128xf32, #tpu.memory_space<hbm>>
          tpu.enqueue_indirect_dma source(%dma_start3A_161 : memref<20000x128xf32, #tpu.memory_space<hbm>>) target(%arg17 : memref<64x128xf32, #tpu.memory_space<vmem>>) offsets(%arg11 : memref<64xi32, #tpu.memory_space<vmem>>) semaphore(%arg26 : memref<!tpu.dma_semaphore, #tpu.memory_space<semaphore_mem>>)
          %mul3A_162 = arith.constant 64 : i32
          %mul3A_163 = arith.muli %add3A_158, %mul3A_162 : i32
          %add3A_164 = arith.addi %add3A, %mul3A_163 : i32
          %dma_start3A_165 = arith.constant 0 : i32
          %dma_start3A_166 = tpu.memref_slice %arg3[%add3A_164, %dma_start3A_165] : memref<327680x128xf32, #tpu.memory_space<hbm>> -> memref<64x128xf32, #tpu.memory_space<hbm>>
          %dma_start3A_167 = arith.constant 0 : i32
          %dma_start3A_168 = tpu.memref_slice %arg3[%add3A_164, %dma_start3A_167] : memref<327680x128xf32, #tpu.memory_space<hbm>> -> memref<64x128xf32, #tpu.memory_space<hbm>>
          tpu.enqueue_dma source(%dma_start3A_168 : memref<64x128xf32, #tpu.memory_space<hbm>>) target(%arg19 : memref<64x128xf32, #tpu.memory_space<vmem>>) target_semaphore(%arg28 : memref<!tpu.dma_semaphore, #tpu.memory_space<semaphore_mem>>)
        } else {
        }
        %add3A_123 = arith.constant 2 : i32
        %add3A_124 = arith.addi %scan3A_40, %add3A_123 : i32
        %lt3A_125 = arith.constant 160 : i32
        %lt3A_126 = arith.cmpi slt, %add3A_124, %lt3A_125 : i32
        %convert_element_type3A_127 = arith.extui %lt3A_126 : i1 to i32
        %cond3A_128 = arith.constant 0 : i32
        %cond3A_129 = arith.cmpi ne, %convert_element_type3A_127, %cond3A_128 : i32
        scf.if %cond3A_129 {
          %add3A_145 = arith.constant 2 : i32
          %add3A_146 = arith.addi %scan3A_40, %add3A_145 : i32
          %mul3A_147 = arith.constant 64 : i32
          %mul3A_148 = arith.muli %add3A_146, %mul3A_147 : i32
          %add3A_149 = arith.addi %add3A, %mul3A_148 : i32
          %dma_start3A_150 = tpu.memref_slice %arg4[%add3A_149] : memref<327680xi32, #tpu.memory_space<hbm>> -> memref<64xi32, #tpu.memory_space<hbm>>
          %dma_start3A_151 = tpu.memref_slice %arg4[%add3A_149] : memref<327680xi32, #tpu.memory_space<hbm>> -> memref<64xi32, #tpu.memory_space<hbm>>
          tpu.enqueue_dma source(%dma_start3A_151 : memref<64xi32, #tpu.memory_space<hbm>>) target(%arg8 : memref<64xi32, #tpu.memory_space<vmem>>) target_semaphore(%arg21 : memref<!tpu.dma_semaphore, #tpu.memory_space<semaphore_mem>>)
          %mul3A_152 = arith.constant 10240 : i32
          %mul3A_153 = arith.muli %arg1, %mul3A_152 : i32
          %add3A_154 = arith.addi %mul3A_153, %mul3A_148 : i32
          %dma_start3A_155 = tpu.memref_slice %arg5[%add3A_154] : memref<163840xi32, #tpu.memory_space<hbm>> -> memref<64xi32, #tpu.memory_space<hbm>>
          %dma_start3A_156 = tpu.memref_slice %arg5[%add3A_154] : memref<163840xi32, #tpu.memory_space<hbm>> -> memref<64xi32, #tpu.memory_space<hbm>>
          tpu.enqueue_dma source(%dma_start3A_156 : memref<64xi32, #tpu.memory_space<hbm>>) target(%arg12 : memref<64xi32, #tpu.memory_space<vmem>>) target_semaphore(%arg21 : memref<!tpu.dma_semaphore, #tpu.memory_space<semaphore_mem>>)
        } else {
        }
        %dma_wait3A = arith.constant 0 : i32
        %dma_wait3A_130 = arith.constant 0 : i32
        %dma_wait3A_131 = tpu.memref_slice %arg2[%dma_wait3A, %dma_wait3A_130] : memref<20000x128xf32, #tpu.memory_space<hbm>> -> memref<20000x128xf32, #tpu.memory_space<hbm>>
        tpu.wait_indirect_dma semaphore(%arg25 : memref<!tpu.dma_semaphore, #tpu.memory_space<semaphore_mem>>) src(%dma_wait3A_131 : memref<20000x128xf32, #tpu.memory_space<hbm>>) dst(%arg16 : memref<64x128xf32, #tpu.memory_space<vmem>>)
        %mul3A_132 = arith.constant 64 : i32
        %mul3A_133 = arith.muli %scan3A_40, %mul3A_132 : i32
        %add3A_134 = arith.addi %add3A, %mul3A_133 : i32
        %dma_wait3A_135 = arith.constant 0 : i32
        %dma_wait3A_136 = tpu.memref_slice %arg3[%add3A_134, %dma_wait3A_135] : memref<327680x128xf32, #tpu.memory_space<hbm>> -> memref<64x128xf32, #tpu.memory_space<hbm>>
        %dma_wait3A_137 = arith.constant 0 : i32
        %dma_wait3A_138 = tpu.memref_slice %arg3[%add3A_134, %dma_wait3A_137] : memref<327680x128xf32, #tpu.memory_space<hbm>> -> memref<64x128xf32, #tpu.memory_space<hbm>>
        tpu.wait_dma2 semaphore(%arg27 : memref<!tpu.dma_semaphore, #tpu.memory_space<semaphore_mem>>) src(%dma_wait3A_138 : memref<64x128xf32, #tpu.memory_space<hbm>>) dst(%arg18 : memref<64x128xf32, #tpu.memory_space<vmem>>)
        %scan3A_139 = arith.constant 0 : i32
        %scan3A_140 = arith.constant 0 : i32
        %scan3A_141 = arith.constant 64 : i32
        %scan3A_142 = arith.addi %scan3A_140, %scan3A_141 : i32
        %scan3A_143 = arith.constant 1 : i32
        scf.for %scan3A_145 = %scan3A_140 to %scan3A_142 step %scan3A_143  : i32 {
          %get3A = arith.index_cast %scan3A_145 : i32 to index
          %get3A_146 = arith.constant 0 : index
          %get3A_147 = tpu.vector_load %arg16[%get3A, %get3A_146] {strides = array<i32>} : memref<64x128xf32, #tpu.memory_space<vmem>>, vector<1x16xf32>,
          %get3A_148 = vector.shape_cast %get3A_147 : vector<1x16xf32> to vector<16xf32>
          %get3A_149 = arith.index_cast %scan3A_145 : i32 to index
          %get3A_150 = arith.constant 0 : index
          %get3A_151 = tpu.vector_load %arg18[%get3A_149, %get3A_150] {strides = array<i32>} : memref<64x128xf32, #tpu.memory_space<vmem>>, vector<1x16xf32>,
          %get3A_152 = vector.shape_cast %get3A_151 : vector<1x16xf32> to vector<16xf32>
          %add3A_153 = arith.addf %get3A_148, %get3A_152 : vector<16xf32>
          %max3A = arith.constant 0.000000e+00 : f32
          %max3A_154 = vector.broadcast %max3A : f32 to vector<16xf32>
          %max3A_155 = arith.maximumf %add3A_153, %max3A_154 : vector<16xf32>
          %swap3A = arith.index_cast %scan3A_145 : i32 to index
          %swap3A_156 = arith.constant 0 : index
          %swap3A_157 = tpu.vector_load %arg16[%swap3A, %swap3A_156] {strides = array<i32>} : memref<64x128xf32, #tpu.memory_space<vmem>>, vector<1x16xf32>,
          %swap3A_158 = vector.shape_cast %swap3A_157 : vector<1x16xf32> to vector<16xf32>
          %swap3A_159 = vector.shape_cast %max3A_155 : vector<16xf32> to vector<1x16xf32>
          tpu.vector_store %arg16[%swap3A, %swap3A_156], %swap3A_159 {strides = array<i32>} : memref<64x128xf32, #tpu.memory_space<vmem>>, vector<1x16xf32>,
          %get3A_160 = arith.index_cast %scan3A_145 : i32 to index
          %get3A_161 = arith.constant 16 : index
          %get3A_162 = tpu.vector_load %arg16[%get3A_160, %get3A_161] {strides = array<i32>} : memref<64x128xf32, #tpu.memory_space<vmem>>, vector<1x16xf32>,
          %get3A_163 = vector.shape_cast %get3A_162 : vector<1x16xf32> to vector<16xf32>
          %get3A_164 = arith.index_cast %scan3A_145 : i32 to index
          %get3A_165 = arith.constant 16 : index
          %get3A_166 = tpu.vector_load %arg18[%get3A_164, %get3A_165] {strides = array<i32>} : memref<64x128xf32, #tpu.memory_space<vmem>>, vector<1x16xf32>,
          %get3A_167 = vector.shape_cast %get3A_166 : vector<1x16xf32> to vector<16xf32>
          %add3A_168 = arith.addf %get3A_163, %get3A_167 : vector<16xf32>
          %max3A_169 = arith.constant 0.000000e+00 : f32
          %max3A_170 = vector.broadcast %max3A_169 : f32 to vector<16xf32>
          %max3A_171 = arith.maximumf %add3A_168, %max3A_170 : vector<16xf32>
          %swap3A_172 = arith.index_cast %scan3A_145 : i32 to index
          %swap3A_173 = arith.constant 16 : index
          %swap3A_174 = tpu.vector_load %arg16[%swap3A_172, %swap3A_173] {strides = array<i32>} : memref<64x128xf32, #tpu.memory_space<vmem>>, vector<1x16xf32>,
          %swap3A_175 = vector.shape_cast %swap3A_174 : vector<1x16xf32> to vector<16xf32>
          %swap3A_176 = vector.shape_cast %max3A_171 : vector<16xf32> to vector<1x16xf32>
          tpu.vector_store %arg16[%swap3A_172, %swap3A_173], %swap3A_176 {strides = array<i32>} : memref<64x128xf32, #tpu.memory_space<vmem>>, vector<1x16xf32>,
          %get3A_177 = arith.index_cast %scan3A_145 : i32 to index
          %get3A_178 = arith.constant 32 : index
          %get3A_179 = tpu.vector_load %arg16[%get3A_177, %get3A_178] {strides = array<i32>} : memref<64x128xf32, #tpu.memory_space<vmem>>, vector<1x16xf32>,
          %get3A_180 = vector.shape_cast %get3A_179 : vector<1x16xf32> to vector<16xf32>
          %get3A_181 = arith.index_cast %scan3A_145 : i32 to index
          %get3A_182 = arith.constant 32 : index
          %get3A_183 = tpu.vector_load %arg18[%get3A_181, %get3A_182] {strides = array<i32>} : memref<64x128xf32, #tpu.memory_space<vmem>>, vector<1x16xf32>,
          %get3A_184 = vector.shape_cast %get3A_183 : vector<1x16xf32> to vector<16xf32>
          %add3A_185 = arith.addf %get3A_180, %get3A_184 : vector<16xf32>
          %max3A_186 = arith.constant 0.000000e+00 : f32
          %max3A_187 = vector.broadcast %max3A_186 : f32 to vector<16xf32>
          %max3A_188 = arith.maximumf %add3A_185, %max3A_187 : vector<16xf32>
          %swap3A_189 = arith.index_cast %scan3A_145 : i32 to index
          %swap3A_190 = arith.constant 32 : index
          %swap3A_191 = tpu.vector_load %arg16[%swap3A_189, %swap3A_190] {strides = array<i32>} : memref<64x128xf32, #tpu.memory_space<vmem>>, vector<1x16xf32>,
          %swap3A_192 = vector.shape_cast %swap3A_191 : vector<1x16xf32> to vector<16xf32>
          %swap3A_193 = vector.shape_cast %max3A_188 : vector<16xf32> to vector<1x16xf32>
          tpu.vector_store %arg16[%swap3A_189, %swap3A_190], %swap3A_193 {strides = array<i32>} : memref<64x128xf32, #tpu.memory_space<vmem>>, vector<1x16xf32>,
          %get3A_194 = arith.index_cast %scan3A_145 : i32 to index
          %get3A_195 = arith.constant 48 : index
          %get3A_196 = tpu.vector_load %arg16[%get3A_194, %get3A_195] {strides = array<i32>} : memref<64x128xf32, #tpu.memory_space<vmem>>, vector<1x16xf32>,
          %get3A_197 = vector.shape_cast %get3A_196 : vector<1x16xf32> to vector<16xf32>
          %get3A_198 = arith.index_cast %scan3A_145 : i32 to index
          %get3A_199 = arith.constant 48 : index
          %get3A_200 = tpu.vector_load %arg18[%get3A_198, %get3A_199] {strides = array<i32>} : memref<64x128xf32, #tpu.memory_space<vmem>>, vector<1x16xf32>,
          %get3A_201 = vector.shape_cast %get3A_200 : vector<1x16xf32> to vector<16xf32>
          %add3A_202 = arith.addf %get3A_197, %get3A_201 : vector<16xf32>
          %max3A_203 = arith.constant 0.000000e+00 : f32
          %max3A_204 = vector.broadcast %max3A_203 : f32 to vector<16xf32>
          %max3A_205 = arith.maximumf %add3A_202, %max3A_204 : vector<16xf32>
          %swap3A_206 = arith.index_cast %scan3A_145 : i32 to index
          %swap3A_207 = arith.constant 48 : index
          %swap3A_208 = tpu.vector_load %arg16[%swap3A_206, %swap3A_207] {strides = array<i32>} : memref<64x128xf32, #tpu.memory_space<vmem>>, vector<1x16xf32>,
          %swap3A_209 = vector.shape_cast %swap3A_208 : vector<1x16xf32> to vector<16xf32>
          %swap3A_210 = vector.shape_cast %max3A_205 : vector<16xf32> to vector<1x16xf32>
          tpu.vector_store %arg16[%swap3A_206, %swap3A_207], %swap3A_210 {strides = array<i32>} : memref<64x128xf32, #tpu.memory_space<vmem>>, vector<1x16xf32>,
          %get3A_211 = arith.index_cast %scan3A_145 : i32 to index
          %get3A_212 = arith.constant 64 : index
          %get3A_213 = tpu.vector_load %arg16[%get3A_211, %get3A_212] {strides = array<i32>} : memref<64x128xf32, #tpu.memory_space<vmem>>, vector<1x16xf32>,
          %get3A_214 = vector.shape_cast %get3A_213 : vector<1x16xf32> to vector<16xf32>
          %get3A_215 = arith.index_cast %scan3A_145 : i32 to index
          %get3A_216 = arith.constant 64 : index
          %get3A_217 = tpu.vector_load %arg18[%get3A_215, %get3A_216] {strides = array<i32>} : memref<64x128xf32, #tpu.memory_space<vmem>>, vector<1x16xf32>,
          %get3A_218 = vector.shape_cast %get3A_217 : vector<1x16xf32> to vector<16xf32>
          %add3A_219 = arith.addf %get3A_214, %get3A_218 : vector<16xf32>
          %max3A_220 = arith.constant 0.000000e+00 : f32
          %max3A_221 = vector.broadcast %max3A_220 : f32 to vector<16xf32>
          %max3A_222 = arith.maximumf %add3A_219, %max3A_221 : vector<16xf32>
          %swap3A_223 = arith.index_cast %scan3A_145 : i32 to index
          %swap3A_224 = arith.constant 64 : index
          %swap3A_225 = tpu.vector_load %arg16[%swap3A_223, %swap3A_224] {strides = array<i32>} : memref<64x128xf32, #tpu.memory_space<vmem>>, vector<1x16xf32>,
          %swap3A_226 = vector.shape_cast %swap3A_225 : vector<1x16xf32> to vector<16xf32>
          %swap3A_227 = vector.shape_cast %max3A_222 : vector<16xf32> to vector<1x16xf32>
          tpu.vector_store %arg16[%swap3A_223, %swap3A_224], %swap3A_227 {strides = array<i32>} : memref<64x128xf32, #tpu.memory_space<vmem>>, vector<1x16xf32>,
          %get3A_228 = arith.index_cast %scan3A_145 : i32 to index
          %get3A_229 = arith.constant 80 : index
          %get3A_230 = tpu.vector_load %arg16[%get3A_228, %get3A_229] {strides = array<i32>} : memref<64x128xf32, #tpu.memory_space<vmem>>, vector<1x16xf32>,
          %get3A_231 = vector.shape_cast %get3A_230 : vector<1x16xf32> to vector<16xf32>
          %get3A_232 = arith.index_cast %scan3A_145 : i32 to index
          %get3A_233 = arith.constant 80 : index
          %get3A_234 = tpu.vector_load %arg18[%get3A_232, %get3A_233] {strides = array<i32>} : memref<64x128xf32, #tpu.memory_space<vmem>>, vector<1x16xf32>,
          %get3A_235 = vector.shape_cast %get3A_234 : vector<1x16xf32> to vector<16xf32>
          %add3A_236 = arith.addf %get3A_231, %get3A_235 : vector<16xf32>
          %max3A_237 = arith.constant 0.000000e+00 : f32
          %max3A_238 = vector.broadcast %max3A_237 : f32 to vector<16xf32>
          %max3A_239 = arith.maximumf %add3A_236, %max3A_238 : vector<16xf32>
          %swap3A_240 = arith.index_cast %scan3A_145 : i32 to index
          %swap3A_241 = arith.constant 80 : index
          %swap3A_242 = tpu.vector_load %arg16[%swap3A_240, %swap3A_241] {strides = array<i32>} : memref<64x128xf32, #tpu.memory_space<vmem>>, vector<1x16xf32>,
          %swap3A_243 = vector.shape_cast %swap3A_242 : vector<1x16xf32> to vector<16xf32>
          %swap3A_244 = vector.shape_cast %max3A_239 : vector<16xf32> to vector<1x16xf32>
          tpu.vector_store %arg16[%swap3A_240, %swap3A_241], %swap3A_244 {strides = array<i32>} : memref<64x128xf32, #tpu.memory_space<vmem>>, vector<1x16xf32>,
          %get3A_245 = arith.index_cast %scan3A_145 : i32 to index
          %get3A_246 = arith.constant 96 : index
          %get3A_247 = tpu.vector_load %arg16[%get3A_245, %get3A_246] {strides = array<i32>} : memref<64x128xf32, #tpu.memory_space<vmem>>, vector<1x16xf32>,
          %get3A_248 = vector.shape_cast %get3A_247 : vector<1x16xf32> to vector<16xf32>
          %get3A_249 = arith.index_cast %scan3A_145 : i32 to index
          %get3A_250 = arith.constant 96 : index
          %get3A_251 = tpu.vector_load %arg18[%get3A_249, %get3A_250] {strides = array<i32>} : memref<64x128xf32, #tpu.memory_space<vmem>>, vector<1x16xf32>,
          %get3A_252 = vector.shape_cast %get3A_251 : vector<1x16xf32> to vector<16xf32>
          %add3A_253 = arith.addf %get3A_248, %get3A_252 : vector<16xf32>
          %max3A_254 = arith.constant 0.000000e+00 : f32
          %max3A_255 = vector.broadcast %max3A_254 : f32 to vector<16xf32>
          %max3A_256 = arith.maximumf %add3A_253, %max3A_255 : vector<16xf32>
          %swap3A_257 = arith.index_cast %scan3A_145 : i32 to index
          %swap3A_258 = arith.constant 96 : index
          %swap3A_259 = tpu.vector_load %arg16[%swap3A_257, %swap3A_258] {strides = array<i32>} : memref<64x128xf32, #tpu.memory_space<vmem>>, vector<1x16xf32>,
          %swap3A_260 = vector.shape_cast %swap3A_259 : vector<1x16xf32> to vector<16xf32>
          %swap3A_261 = vector.shape_cast %max3A_256 : vector<16xf32> to vector<1x16xf32>
          tpu.vector_store %arg16[%swap3A_257, %swap3A_258], %swap3A_261 {strides = array<i32>} : memref<64x128xf32, #tpu.memory_space<vmem>>, vector<1x16xf32>,
          %get3A_262 = arith.index_cast %scan3A_145 : i32 to index
          %get3A_263 = arith.constant 112 : index
          %get3A_264 = tpu.vector_load %arg16[%get3A_262, %get3A_263] {strides = array<i32>} : memref<64x128xf32, #tpu.memory_space<vmem>>, vector<1x16xf32>,
          %get3A_265 = vector.shape_cast %get3A_264 : vector<1x16xf32> to vector<16xf32>
          %get3A_266 = arith.index_cast %scan3A_145 : i32 to index
          %get3A_267 = arith.constant 112 : index
          %get3A_268 = tpu.vector_load %arg18[%get3A_266, %get3A_267] {strides = array<i32>} : memref<64x128xf32, #tpu.memory_space<vmem>>, vector<1x16xf32>,
          %get3A_269 = vector.shape_cast %get3A_268 : vector<1x16xf32> to vector<16xf32>
          %add3A_270 = arith.addf %get3A_265, %get3A_269 : vector<16xf32>
          %max3A_271 = arith.constant 0.000000e+00 : f32
          %max3A_272 = vector.broadcast %max3A_271 : f32 to vector<16xf32>
          %max3A_273 = arith.maximumf %add3A_270, %max3A_272 : vector<16xf32>
          %swap3A_274 = arith.index_cast %scan3A_145 : i32 to index
          %swap3A_275 = arith.constant 112 : index
          %swap3A_276 = tpu.vector_load %arg16[%swap3A_274, %swap3A_275] {strides = array<i32>} : memref<64x128xf32, #tpu.memory_space<vmem>>, vector<1x16xf32>,
          %swap3A_277 = vector.shape_cast %swap3A_276 : vector<1x16xf32> to vector<16xf32>
          %swap3A_278 = vector.shape_cast %max3A_273 : vector<16xf32> to vector<1x16xf32>
          tpu.vector_store %arg16[%swap3A_274, %swap3A_275], %swap3A_278 {strides = array<i32>} : memref<64x128xf32, #tpu.memory_space<vmem>>, vector<1x16xf32>,
        }
        %scan3A_144 = arith.constant 64 : i32
        "tpu.region"() ({
          %run_scoped3A = tpu.sem_alloc : memref<!tpu.dma_semaphore, #tpu.memory_space<semaphore_mem>>
          %dma_start3A_145 = arith.constant 0 : i32
          %dma_start3A_146 = arith.constant 0 : i32
          %dma_start3A_147 = tpu.memref_slice %arg20[%dma_start3A_145, %dma_start3A_146] : memref<10240x128xf32, #tpu.memory_space<vmem_shared>> -> memref<10240x128xf32, #tpu.memory_space<vmem_shared>>
          tpu.enqueue_indirect_dma source(%arg16 : memref<64x128xf32, #tpu.memory_space<vmem>>) target(%dma_start3A_147 : memref<10240x128xf32, #tpu.memory_space<vmem_shared>>) offsets(%arg14 : memref<64xi32, #tpu.memory_space<vmem>>) semaphore(%run_scoped3A : memref<!tpu.dma_semaphore, #tpu.memory_space<semaphore_mem>>) {add = true}
          %dma_wait3A_148 = arith.constant 0 : i32
          %dma_wait3A_149 = arith.constant 0 : i32
          %dma_wait3A_150 = tpu.memref_slice %arg20[%dma_wait3A_148, %dma_wait3A_149] : memref<10240x128xf32, #tpu.memory_space<vmem_shared>> -> memref<10240x128xf32, #tpu.memory_space<vmem_shared>>
          tpu.wait_indirect_dma semaphore(%run_scoped3A : memref<!tpu.dma_semaphore, #tpu.memory_space<semaphore_mem>>) src(%arg16 : memref<64x128xf32, #tpu.memory_space<vmem>>) dst(%dma_wait3A_150 : memref<10240x128xf32, #tpu.memory_space<vmem_shared>>)
          tpu.yield
        }) : () -> ()
      } else {
      }
      %jit3A_95 = arith.constant 4 : i32
      %eq3A_96 = arith.constant 0 : i32
      %eq3A_97 = arith.cmpi eq, %jit3A_95, %eq3A_96 : i32
      %jit3A_98 = arith.constant 1 : i32
      %select_n3A_99 = arith.select %eq3A_97, %jit3A_98, %jit3A_95 : i32
      %rem3A_100 = arith.remsi %scan3A_40, %select_n3A_99 : i32
      %ne3A_101 = arith.constant 0 : i32
      %ne3A_102 = arith.cmpi ne, %rem3A_100, %ne3A_101 : i32
      %lt3A_103 = arith.constant 0 : i32
      %lt3A_104 = arith.cmpi slt, %rem3A_100, %lt3A_103 : i32
      %lt3A_105 = arith.constant 0 : i32
      %lt3A_106 = arith.cmpi slt, %select_n3A_99, %lt3A_105 : i32
      %ne3A_107 = arith.xori %lt3A_104, %lt3A_106 : i1
      %and3A_108 = arith.andi %ne3A_107, %ne3A_102 : i1
      %add3A_109 = arith.addi %rem3A_100, %select_n3A_99 : i32
      %select_n3A_110 = arith.select %and3A_108, %add3A_109, %rem3A_100 : i32
      %eq3A_111 = arith.constant 3 : i32
      %eq3A_112 = arith.cmpi eq, %select_n3A_110, %eq3A_111 : i32
      %convert_element_type3A_113 = arith.extui %eq3A_112 : i1 to i32
      %cond3A_114 = arith.constant 0 : i32
      %cond3A_115 = arith.cmpi ne, %convert_element_type3A_113, %cond3A_114 : i32
      scf.if %cond3A_115 {
        %add3A_116 = arith.constant 1 : i32
        %add3A_117 = arith.addi %scan3A_40, %add3A_116 : i32
        %lt3A_118 = arith.constant 160 : i32
        %lt3A_119 = arith.cmpi slt, %add3A_117, %lt3A_118 : i32
        %convert_element_type3A_120 = arith.extui %lt3A_119 : i1 to i32
        %cond3A_121 = arith.constant 0 : i32
        %cond3A_122 = arith.cmpi ne, %convert_element_type3A_120, %cond3A_121 : i32
        scf.if %cond3A_122 {
          %add3A_145 = arith.constant 1 : i32
          %add3A_146 = arith.addi %scan3A_40, %add3A_145 : i32
          %mul3A_147 = arith.constant 64 : i32
          %mul3A_148 = arith.muli %add3A_146, %mul3A_147 : i32
          %add3A_149 = arith.addi %add3A, %mul3A_148 : i32
          %dma_wait3A_150 = tpu.memref_slice %arg4[%add3A_149] : memref<327680xi32, #tpu.memory_space<hbm>> -> memref<64xi32, #tpu.memory_space<hbm>>
          %dma_wait3A_151 = tpu.memref_slice %arg4[%add3A_149] : memref<327680xi32, #tpu.memory_space<hbm>> -> memref<64xi32, #tpu.memory_space<hbm>>
          tpu.wait_dma2 semaphore(%arg21 : memref<!tpu.dma_semaphore, #tpu.memory_space<semaphore_mem>>) src(%dma_wait3A_151 : memref<64xi32, #tpu.memory_space<hbm>>) dst(%arg8 : memref<64xi32, #tpu.memory_space<vmem>>)
          %mul3A_152 = arith.constant 10240 : i32
          %mul3A_153 = arith.muli %arg1, %mul3A_152 : i32
          %add3A_154 = arith.addi %mul3A_153, %mul3A_148 : i32
          %dma_wait3A_155 = tpu.memref_slice %arg5[%add3A_154] : memref<163840xi32, #tpu.memory_space<hbm>> -> memref<64xi32, #tpu.memory_space<hbm>>
          %dma_wait3A_156 = tpu.memref_slice %arg5[%add3A_154] : memref<163840xi32, #tpu.memory_space<hbm>> -> memref<64xi32, #tpu.memory_space<hbm>>
          tpu.wait_dma2 semaphore(%arg21 : memref<!tpu.dma_semaphore, #tpu.memory_space<semaphore_mem>>) src(%dma_wait3A_156 : memref<64xi32, #tpu.memory_space<hbm>>) dst(%arg12 : memref<64xi32, #tpu.memory_space<vmem>>)
          %add3A_157 = arith.constant 1 : i32
          %add3A_158 = arith.addi %scan3A_40, %add3A_157 : i32
          %dma_start3A_159 = arith.constant 0 : i32
          %dma_start3A_160 = arith.constant 0 : i32
          %dma_start3A_161 = tpu.memref_slice %arg2[%dma_start3A_159, %dma_start3A_160] : memref<20000x128xf32, #tpu.memory_space<hbm>> -> memref<20000x128xf32, #tpu.memory_space<hbm>>
          tpu.enqueue_indirect_dma source(%dma_start3A_161 : memref<20000x128xf32, #tpu.memory_space<hbm>>) target(%arg16 : memref<64x128xf32, #tpu.memory_space<vmem>>) offsets(%arg8 : memref<64xi32, #tpu.memory_space<vmem>>) semaphore(%arg25 : memref<!tpu.dma_semaphore, #tpu.memory_space<semaphore_mem>>)
          %mul3A_162 = arith.constant 64 : i32
          %mul3A_163 = arith.muli %add3A_158, %mul3A_162 : i32
          %add3A_164 = arith.addi %add3A, %mul3A_163 : i32
          %dma_start3A_165 = arith.constant 0 : i32
          %dma_start3A_166 = tpu.memref_slice %arg3[%add3A_164, %dma_start3A_165] : memref<327680x128xf32, #tpu.memory_space<hbm>> -> memref<64x128xf32, #tpu.memory_space<hbm>>
          %dma_start3A_167 = arith.constant 0 : i32
          %dma_start3A_168 = tpu.memref_slice %arg3[%add3A_164, %dma_start3A_167] : memref<327680x128xf32, #tpu.memory_space<hbm>> -> memref<64x128xf32, #tpu.memory_space<hbm>>
          tpu.enqueue_dma source(%dma_start3A_168 : memref<64x128xf32, #tpu.memory_space<hbm>>) target(%arg18 : memref<64x128xf32, #tpu.memory_space<vmem>>) target_semaphore(%arg27 : memref<!tpu.dma_semaphore, #tpu.memory_space<semaphore_mem>>)
        } else {
        }
        %add3A_123 = arith.constant 2 : i32
        %add3A_124 = arith.addi %scan3A_40, %add3A_123 : i32
        %lt3A_125 = arith.constant 160 : i32
        %lt3A_126 = arith.cmpi slt, %add3A_124, %lt3A_125 : i32
        %convert_element_type3A_127 = arith.extui %lt3A_126 : i1 to i32
        %cond3A_128 = arith.constant 0 : i32
        %cond3A_129 = arith.cmpi ne, %convert_element_type3A_127, %cond3A_128 : i32
        scf.if %cond3A_129 {
          %add3A_145 = arith.constant 2 : i32
          %add3A_146 = arith.addi %scan3A_40, %add3A_145 : i32
          %mul3A_147 = arith.constant 64 : i32
          %mul3A_148 = arith.muli %add3A_146, %mul3A_147 : i32
          %add3A_149 = arith.addi %add3A, %mul3A_148 : i32
          %dma_start3A_150 = tpu.memref_slice %arg4[%add3A_149] : memref<327680xi32, #tpu.memory_space<hbm>> -> memref<64xi32, #tpu.memory_space<hbm>>
          %dma_start3A_151 = tpu.memref_slice %arg4[%add3A_149] : memref<327680xi32, #tpu.memory_space<hbm>> -> memref<64xi32, #tpu.memory_space<hbm>>
          tpu.enqueue_dma source(%dma_start3A_151 : memref<64xi32, #tpu.memory_space<hbm>>) target(%arg9 : memref<64xi32, #tpu.memory_space<vmem>>) target_semaphore(%arg22 : memref<!tpu.dma_semaphore, #tpu.memory_space<semaphore_mem>>)
          %mul3A_152 = arith.constant 10240 : i32
          %mul3A_153 = arith.muli %arg1, %mul3A_152 : i32
          %add3A_154 = arith.addi %mul3A_153, %mul3A_148 : i32
          %dma_start3A_155 = tpu.memref_slice %arg5[%add3A_154] : memref<163840xi32, #tpu.memory_space<hbm>> -> memref<64xi32, #tpu.memory_space<hbm>>
          %dma_start3A_156 = tpu.memref_slice %arg5[%add3A_154] : memref<163840xi32, #tpu.memory_space<hbm>> -> memref<64xi32, #tpu.memory_space<hbm>>
          tpu.enqueue_dma source(%dma_start3A_156 : memref<64xi32, #tpu.memory_space<hbm>>) target(%arg13 : memref<64xi32, #tpu.memory_space<vmem>>) target_semaphore(%arg22 : memref<!tpu.dma_semaphore, #tpu.memory_space<semaphore_mem>>)
        } else {
        }
        %dma_wait3A = arith.constant 0 : i32
        %dma_wait3A_130 = arith.constant 0 : i32
        %dma_wait3A_131 = tpu.memref_slice %arg2[%dma_wait3A, %dma_wait3A_130] : memref<20000x128xf32, #tpu.memory_space<hbm>> -> memref<20000x128xf32, #tpu.memory_space<hbm>>
        tpu.wait_indirect_dma semaphore(%arg26 : memref<!tpu.dma_semaphore, #tpu.memory_space<semaphore_mem>>) src(%dma_wait3A_131 : memref<20000x128xf32, #tpu.memory_space<hbm>>) dst(%arg17 : memref<64x128xf32, #tpu.memory_space<vmem>>)
        %mul3A_132 = arith.constant 64 : i32
        %mul3A_133 = arith.muli %scan3A_40, %mul3A_132 : i32
        %add3A_134 = arith.addi %add3A, %mul3A_133 : i32
        %dma_wait3A_135 = arith.constant 0 : i32
        %dma_wait3A_136 = tpu.memref_slice %arg3[%add3A_134, %dma_wait3A_135] : memref<327680x128xf32, #tpu.memory_space<hbm>> -> memref<64x128xf32, #tpu.memory_space<hbm>>
        %dma_wait3A_137 = arith.constant 0 : i32
        %dma_wait3A_138 = tpu.memref_slice %arg3[%add3A_134, %dma_wait3A_137] : memref<327680x128xf32, #tpu.memory_space<hbm>> -> memref<64x128xf32, #tpu.memory_space<hbm>>
        tpu.wait_dma2 semaphore(%arg28 : memref<!tpu.dma_semaphore, #tpu.memory_space<semaphore_mem>>) src(%dma_wait3A_138 : memref<64x128xf32, #tpu.memory_space<hbm>>) dst(%arg19 : memref<64x128xf32, #tpu.memory_space<vmem>>)
        %scan3A_139 = arith.constant 0 : i32
        %scan3A_140 = arith.constant 0 : i32
        %scan3A_141 = arith.constant 64 : i32
        %scan3A_142 = arith.addi %scan3A_140, %scan3A_141 : i32
        %scan3A_143 = arith.constant 1 : i32
        scf.for %scan3A_145 = %scan3A_140 to %scan3A_142 step %scan3A_143  : i32 {
          %get3A = arith.index_cast %scan3A_145 : i32 to index
          %get3A_146 = arith.constant 0 : index
          %get3A_147 = tpu.vector_load %arg17[%get3A, %get3A_146] {strides = array<i32>} : memref<64x128xf32, #tpu.memory_space<vmem>>, vector<1x16xf32>,
          %get3A_148 = vector.shape_cast %get3A_147 : vector<1x16xf32> to vector<16xf32>
          %get3A_149 = arith.index_cast %scan3A_145 : i32 to index
          %get3A_150 = arith.constant 0 : index
          %get3A_151 = tpu.vector_load %arg19[%get3A_149, %get3A_150] {strides = array<i32>} : memref<64x128xf32, #tpu.memory_space<vmem>>, vector<1x16xf32>,
          %get3A_152 = vector.shape_cast %get3A_151 : vector<1x16xf32> to vector<16xf32>
          %add3A_153 = arith.addf %get3A_148, %get3A_152 : vector<16xf32>
          %max3A = arith.constant 0.000000e+00 : f32
          %max3A_154 = vector.broadcast %max3A : f32 to vector<16xf32>
          %max3A_155 = arith.maximumf %add3A_153, %max3A_154 : vector<16xf32>
          %swap3A = arith.index_cast %scan3A_145 : i32 to index
          %swap3A_156 = arith.constant 0 : index
          %swap3A_157 = tpu.vector_load %arg17[%swap3A, %swap3A_156] {strides = array<i32>} : memref<64x128xf32, #tpu.memory_space<vmem>>, vector<1x16xf32>,
          %swap3A_158 = vector.shape_cast %swap3A_157 : vector<1x16xf32> to vector<16xf32>
          %swap3A_159 = vector.shape_cast %max3A_155 : vector<16xf32> to vector<1x16xf32>
          tpu.vector_store %arg17[%swap3A, %swap3A_156], %swap3A_159 {strides = array<i32>} : memref<64x128xf32, #tpu.memory_space<vmem>>, vector<1x16xf32>,
          %get3A_160 = arith.index_cast %scan3A_145 : i32 to index
          %get3A_161 = arith.constant 16 : index
          %get3A_162 = tpu.vector_load %arg17[%get3A_160, %get3A_161] {strides = array<i32>} : memref<64x128xf32, #tpu.memory_space<vmem>>, vector<1x16xf32>,
          %get3A_163 = vector.shape_cast %get3A_162 : vector<1x16xf32> to vector<16xf32>
          %get3A_164 = arith.index_cast %scan3A_145 : i32 to index
          %get3A_165 = arith.constant 16 : index
          %get3A_166 = tpu.vector_load %arg19[%get3A_164, %get3A_165] {strides = array<i32>} : memref<64x128xf32, #tpu.memory_space<vmem>>, vector<1x16xf32>,
          %get3A_167 = vector.shape_cast %get3A_166 : vector<1x16xf32> to vector<16xf32>
          %add3A_168 = arith.addf %get3A_163, %get3A_167 : vector<16xf32>
          %max3A_169 = arith.constant 0.000000e+00 : f32
          %max3A_170 = vector.broadcast %max3A_169 : f32 to vector<16xf32>
          %max3A_171 = arith.maximumf %add3A_168, %max3A_170 : vector<16xf32>
          %swap3A_172 = arith.index_cast %scan3A_145 : i32 to index
          %swap3A_173 = arith.constant 16 : index
          %swap3A_174 = tpu.vector_load %arg17[%swap3A_172, %swap3A_173] {strides = array<i32>} : memref<64x128xf32, #tpu.memory_space<vmem>>, vector<1x16xf32>,
          %swap3A_175 = vector.shape_cast %swap3A_174 : vector<1x16xf32> to vector<16xf32>
          %swap3A_176 = vector.shape_cast %max3A_171 : vector<16xf32> to vector<1x16xf32>
          tpu.vector_store %arg17[%swap3A_172, %swap3A_173], %swap3A_176 {strides = array<i32>} : memref<64x128xf32, #tpu.memory_space<vmem>>, vector<1x16xf32>,
          %get3A_177 = arith.index_cast %scan3A_145 : i32 to index
          %get3A_178 = arith.constant 32 : index
          %get3A_179 = tpu.vector_load %arg17[%get3A_177, %get3A_178] {strides = array<i32>} : memref<64x128xf32, #tpu.memory_space<vmem>>, vector<1x16xf32>,
          %get3A_180 = vector.shape_cast %get3A_179 : vector<1x16xf32> to vector<16xf32>
          %get3A_181 = arith.index_cast %scan3A_145 : i32 to index
          %get3A_182 = arith.constant 32 : index
          %get3A_183 = tpu.vector_load %arg19[%get3A_181, %get3A_182] {strides = array<i32>} : memref<64x128xf32, #tpu.memory_space<vmem>>, vector<1x16xf32>,
          %get3A_184 = vector.shape_cast %get3A_183 : vector<1x16xf32> to vector<16xf32>
          %add3A_185 = arith.addf %get3A_180, %get3A_184 : vector<16xf32>
          %max3A_186 = arith.constant 0.000000e+00 : f32
          %max3A_187 = vector.broadcast %max3A_186 : f32 to vector<16xf32>
          %max3A_188 = arith.maximumf %add3A_185, %max3A_187 : vector<16xf32>
          %swap3A_189 = arith.index_cast %scan3A_145 : i32 to index
          %swap3A_190 = arith.constant 32 : index
          %swap3A_191 = tpu.vector_load %arg17[%swap3A_189, %swap3A_190] {strides = array<i32>} : memref<64x128xf32, #tpu.memory_space<vmem>>, vector<1x16xf32>,
          %swap3A_192 = vector.shape_cast %swap3A_191 : vector<1x16xf32> to vector<16xf32>
          %swap3A_193 = vector.shape_cast %max3A_188 : vector<16xf32> to vector<1x16xf32>
          tpu.vector_store %arg17[%swap3A_189, %swap3A_190], %swap3A_193 {strides = array<i32>} : memref<64x128xf32, #tpu.memory_space<vmem>>, vector<1x16xf32>,
          %get3A_194 = arith.index_cast %scan3A_145 : i32 to index
          %get3A_195 = arith.constant 48 : index
          %get3A_196 = tpu.vector_load %arg17[%get3A_194, %get3A_195] {strides = array<i32>} : memref<64x128xf32, #tpu.memory_space<vmem>>, vector<1x16xf32>,
          %get3A_197 = vector.shape_cast %get3A_196 : vector<1x16xf32> to vector<16xf32>
          %get3A_198 = arith.index_cast %scan3A_145 : i32 to index
          %get3A_199 = arith.constant 48 : index
          %get3A_200 = tpu.vector_load %arg19[%get3A_198, %get3A_199] {strides = array<i32>} : memref<64x128xf32, #tpu.memory_space<vmem>>, vector<1x16xf32>,
          %get3A_201 = vector.shape_cast %get3A_200 : vector<1x16xf32> to vector<16xf32>
          %add3A_202 = arith.addf %get3A_197, %get3A_201 : vector<16xf32>
          %max3A_203 = arith.constant 0.000000e+00 : f32
          %max3A_204 = vector.broadcast %max3A_203 : f32 to vector<16xf32>
          %max3A_205 = arith.maximumf %add3A_202, %max3A_204 : vector<16xf32>
          %swap3A_206 = arith.index_cast %scan3A_145 : i32 to index
          %swap3A_207 = arith.constant 48 : index
          %swap3A_208 = tpu.vector_load %arg17[%swap3A_206, %swap3A_207] {strides = array<i32>} : memref<64x128xf32, #tpu.memory_space<vmem>>, vector<1x16xf32>,
          %swap3A_209 = vector.shape_cast %swap3A_208 : vector<1x16xf32> to vector<16xf32>
          %swap3A_210 = vector.shape_cast %max3A_205 : vector<16xf32> to vector<1x16xf32>
          tpu.vector_store %arg17[%swap3A_206, %swap3A_207], %swap3A_210 {strides = array<i32>} : memref<64x128xf32, #tpu.memory_space<vmem>>, vector<1x16xf32>,
          %get3A_211 = arith.index_cast %scan3A_145 : i32 to index
          %get3A_212 = arith.constant 64 : index
          %get3A_213 = tpu.vector_load %arg17[%get3A_211, %get3A_212] {strides = array<i32>} : memref<64x128xf32, #tpu.memory_space<vmem>>, vector<1x16xf32>,
          %get3A_214 = vector.shape_cast %get3A_213 : vector<1x16xf32> to vector<16xf32>
          %get3A_215 = arith.index_cast %scan3A_145 : i32 to index
          %get3A_216 = arith.constant 64 : index
          %get3A_217 = tpu.vector_load %arg19[%get3A_215, %get3A_216] {strides = array<i32>} : memref<64x128xf32, #tpu.memory_space<vmem>>, vector<1x16xf32>,
          %get3A_218 = vector.shape_cast %get3A_217 : vector<1x16xf32> to vector<16xf32>
          %add3A_219 = arith.addf %get3A_214, %get3A_218 : vector<16xf32>
          %max3A_220 = arith.constant 0.000000e+00 : f32
          %max3A_221 = vector.broadcast %max3A_220 : f32 to vector<16xf32>
          %max3A_222 = arith.maximumf %add3A_219, %max3A_221 : vector<16xf32>
          %swap3A_223 = arith.index_cast %scan3A_145 : i32 to index
          %swap3A_224 = arith.constant 64 : index
          %swap3A_225 = tpu.vector_load %arg17[%swap3A_223, %swap3A_224] {strides = array<i32>} : memref<64x128xf32, #tpu.memory_space<vmem>>, vector<1x16xf32>,
          %swap3A_226 = vector.shape_cast %swap3A_225 : vector<1x16xf32> to vector<16xf32>
          %swap3A_227 = vector.shape_cast %max3A_222 : vector<16xf32> to vector<1x16xf32>
          tpu.vector_store %arg17[%swap3A_223, %swap3A_224], %swap3A_227 {strides = array<i32>} : memref<64x128xf32, #tpu.memory_space<vmem>>, vector<1x16xf32>,
          %get3A_228 = arith.index_cast %scan3A_145 : i32 to index
          %get3A_229 = arith.constant 80 : index
          %get3A_230 = tpu.vector_load %arg17[%get3A_228, %get3A_229] {strides = array<i32>} : memref<64x128xf32, #tpu.memory_space<vmem>>, vector<1x16xf32>,
          %get3A_231 = vector.shape_cast %get3A_230 : vector<1x16xf32> to vector<16xf32>
          %get3A_232 = arith.index_cast %scan3A_145 : i32 to index
          %get3A_233 = arith.constant 80 : index
          %get3A_234 = tpu.vector_load %arg19[%get3A_232, %get3A_233] {strides = array<i32>} : memref<64x128xf32, #tpu.memory_space<vmem>>, vector<1x16xf32>,
          %get3A_235 = vector.shape_cast %get3A_234 : vector<1x16xf32> to vector<16xf32>
          %add3A_236 = arith.addf %get3A_231, %get3A_235 : vector<16xf32>
          %max3A_237 = arith.constant 0.000000e+00 : f32
          %max3A_238 = vector.broadcast %max3A_237 : f32 to vector<16xf32>
          %max3A_239 = arith.maximumf %add3A_236, %max3A_238 : vector<16xf32>
          %swap3A_240 = arith.index_cast %scan3A_145 : i32 to index
          %swap3A_241 = arith.constant 80 : index
          %swap3A_242 = tpu.vector_load %arg17[%swap3A_240, %swap3A_241] {strides = array<i32>} : memref<64x128xf32, #tpu.memory_space<vmem>>, vector<1x16xf32>,
          %swap3A_243 = vector.shape_cast %swap3A_242 : vector<1x16xf32> to vector<16xf32>
          %swap3A_244 = vector.shape_cast %max3A_239 : vector<16xf32> to vector<1x16xf32>
          tpu.vector_store %arg17[%swap3A_240, %swap3A_241], %swap3A_244 {strides = array<i32>} : memref<64x128xf32, #tpu.memory_space<vmem>>, vector<1x16xf32>,
          %get3A_245 = arith.index_cast %scan3A_145 : i32 to index
          %get3A_246 = arith.constant 96 : index
          %get3A_247 = tpu.vector_load %arg17[%get3A_245, %get3A_246] {strides = array<i32>} : memref<64x128xf32, #tpu.memory_space<vmem>>, vector<1x16xf32>,
          %get3A_248 = vector.shape_cast %get3A_247 : vector<1x16xf32> to vector<16xf32>
          %get3A_249 = arith.index_cast %scan3A_145 : i32 to index
          %get3A_250 = arith.constant 96 : index
          %get3A_251 = tpu.vector_load %arg19[%get3A_249, %get3A_250] {strides = array<i32>} : memref<64x128xf32, #tpu.memory_space<vmem>>, vector<1x16xf32>,
          %get3A_252 = vector.shape_cast %get3A_251 : vector<1x16xf32> to vector<16xf32>
          %add3A_253 = arith.addf %get3A_248, %get3A_252 : vector<16xf32>
          %max3A_254 = arith.constant 0.000000e+00 : f32
          %max3A_255 = vector.broadcast %max3A_254 : f32 to vector<16xf32>
          %max3A_256 = arith.maximumf %add3A_253, %max3A_255 : vector<16xf32>
          %swap3A_257 = arith.index_cast %scan3A_145 : i32 to index
          %swap3A_258 = arith.constant 96 : index
          %swap3A_259 = tpu.vector_load %arg17[%swap3A_257, %swap3A_258] {strides = array<i32>} : memref<64x128xf32, #tpu.memory_space<vmem>>, vector<1x16xf32>,
          %swap3A_260 = vector.shape_cast %swap3A_259 : vector<1x16xf32> to vector<16xf32>
          %swap3A_261 = vector.shape_cast %max3A_256 : vector<16xf32> to vector<1x16xf32>
          tpu.vector_store %arg17[%swap3A_257, %swap3A_258], %swap3A_261 {strides = array<i32>} : memref<64x128xf32, #tpu.memory_space<vmem>>, vector<1x16xf32>,
          %get3A_262 = arith.index_cast %scan3A_145 : i32 to index
          %get3A_263 = arith.constant 112 : index
          %get3A_264 = tpu.vector_load %arg17[%get3A_262, %get3A_263] {strides = array<i32>} : memref<64x128xf32, #tpu.memory_space<vmem>>, vector<1x16xf32>,
          %get3A_265 = vector.shape_cast %get3A_264 : vector<1x16xf32> to vector<16xf32>
          %get3A_266 = arith.index_cast %scan3A_145 : i32 to index
          %get3A_267 = arith.constant 112 : index
          %get3A_268 = tpu.vector_load %arg19[%get3A_266, %get3A_267] {strides = array<i32>} : memref<64x128xf32, #tpu.memory_space<vmem>>, vector<1x16xf32>,
          %get3A_269 = vector.shape_cast %get3A_268 : vector<1x16xf32> to vector<16xf32>
          %add3A_270 = arith.addf %get3A_265, %get3A_269 : vector<16xf32>
          %max3A_271 = arith.constant 0.000000e+00 : f32
          %max3A_272 = vector.broadcast %max3A_271 : f32 to vector<16xf32>
          %max3A_273 = arith.maximumf %add3A_270, %max3A_272 : vector<16xf32>
          %swap3A_274 = arith.index_cast %scan3A_145 : i32 to index
          %swap3A_275 = arith.constant 112 : index
          %swap3A_276 = tpu.vector_load %arg17[%swap3A_274, %swap3A_275] {strides = array<i32>} : memref<64x128xf32, #tpu.memory_space<vmem>>, vector<1x16xf32>,
          %swap3A_277 = vector.shape_cast %swap3A_276 : vector<1x16xf32> to vector<16xf32>
          %swap3A_278 = vector.shape_cast %max3A_273 : vector<16xf32> to vector<1x16xf32>
          tpu.vector_store %arg17[%swap3A_274, %swap3A_275], %swap3A_278 {strides = array<i32>} : memref<64x128xf32, #tpu.memory_space<vmem>>, vector<1x16xf32>,
        }
        %scan3A_144 = arith.constant 64 : i32
        "tpu.region"() ({
          %run_scoped3A = tpu.sem_alloc : memref<!tpu.dma_semaphore, #tpu.memory_space<semaphore_mem>>
          %dma_start3A_145 = arith.constant 0 : i32
          %dma_start3A_146 = arith.constant 0 : i32
          %dma_start3A_147 = tpu.memref_slice %arg20[%dma_start3A_145, %dma_start3A_146] : memref<10240x128xf32, #tpu.memory_space<vmem_shared>> -> memref<10240x128xf32, #tpu.memory_space<vmem_shared>>
          tpu.enqueue_indirect_dma source(%arg17 : memref<64x128xf32, #tpu.memory_space<vmem>>) target(%dma_start3A_147 : memref<10240x128xf32, #tpu.memory_space<vmem_shared>>) offsets(%arg15 : memref<64xi32, #tpu.memory_space<vmem>>) semaphore(%run_scoped3A : memref<!tpu.dma_semaphore, #tpu.memory_space<semaphore_mem>>) {add = true}
          %dma_wait3A_148 = arith.constant 0 : i32
          %dma_wait3A_149 = arith.constant 0 : i32
          %dma_wait3A_150 = tpu.memref_slice %arg20[%dma_wait3A_148, %dma_wait3A_149] : memref<10240x128xf32, #tpu.memory_space<vmem_shared>> -> memref<10240x128xf32, #tpu.memory_space<vmem_shared>>
          tpu.wait_indirect_dma semaphore(%run_scoped3A : memref<!tpu.dma_semaphore, #tpu.memory_space<semaphore_mem>>) src(%arg17 : memref<64x128xf32, #tpu.memory_space<vmem>>) dst(%dma_wait3A_150 : memref<10240x128xf32, #tpu.memory_space<vmem_shared>>)
          tpu.yield
        }) : () -> ()
      } else {
      }
    }
    %scan3A_31 = arith.constant 160 : i32
    %barrier3A_32 = arith.constant 0 : index
    tpu.barrier barrier_id(%barrier3A_32)
    %mul3A_33 = arith.constant 640 : i32
    %mul3A_34 = arith.muli %arg1, %mul3A_33 : i32
    %mul3A_35 = arith.constant 10240 : i32
    %mul3A_36 = arith.muli %arg0, %mul3A_35 : i32
    %mul3A_37 = arith.constant 640 : i32
    %mul3A_38 = arith.muli %arg1, %mul3A_37 : i32
    %add3A_39 = arith.addi %mul3A_36, %mul3A_38 : i32
    "tpu.region"() ({
      %run_scoped3A = tpu.sem_alloc : memref<!tpu.dma_semaphore, #tpu.memory_space<semaphore_mem>>
      %dma_start3A_40 = arith.constant 0 : i32
      %dma_start3A_41 = tpu.memref_slice %arg7[%add3A_39, %dma_start3A_40] : memref<20480x128xf32, #tpu.memory_space<hbm>> -> memref<640x128xf32, #tpu.memory_space<hbm>>
      %dma_start3A_42 = arith.constant 0 : i32
      %dma_start3A_43 = tpu.memref_slice %arg20[%mul3A_34, %dma_start3A_42] : memref<10240x128xf32, #tpu.memory_space<vmem_shared>> -> memref<640x128xf32, #tpu.memory_space<vmem_shared>>
      tpu.enqueue_dma source(%dma_start3A_43 : memref<640x128xf32, #tpu.memory_space<vmem_shared>>) target(%dma_start3A_41 : memref<640x128xf32, #tpu.memory_space<hbm>>) target_semaphore(%run_scoped3A : memref<!tpu.dma_semaphore, #tpu.memory_space<semaphore_mem>>)
      %dma_wait3A = arith.constant 0 : i32
      %dma_wait3A_44 = tpu.memref_slice %arg7[%add3A_39, %dma_wait3A] : memref<20480x128xf32, #tpu.memory_space<hbm>> -> memref<640x128xf32, #tpu.memory_space<hbm>>
      %dma_wait3A_45 = arith.constant 0 : i32
      %dma_wait3A_46 = tpu.memref_slice %arg20[%mul3A_34, %dma_wait3A_45] : memref<10240x128xf32, #tpu.memory_space<vmem_shared>> -> memref<640x128xf32, #tpu.memory_space<vmem_shared>>
      tpu.wait_dma2 semaphore(%run_scoped3A : memref<!tpu.dma_semaphore, #tpu.memory_space<semaphore_mem>>) src(%dma_wait3A_46 : memref<640x128xf32, #tpu.memory_space<vmem_shared>>) dst(%dma_wait3A_44 : memref<640x128xf32, #tpu.memory_space<hbm>>)
      tpu.yield
    }) : () -> ()
    return
  }
}

module attributes {stable_mosaic.version = 14 : i64} {
  func.func @_edge_body(%arg0: i32, %arg1: memref<2048x16xf32, #tpu.memory_space<vmem>>, %arg2: memref<16x256xf32, #tpu.memory_space<vmem>>, %arg3: memref<1x256xf32, #tpu.memory_space<vmem>>, %arg4: memref<2x2048x128xf32, #tpu.memory_space<vmem>>) attributes {dimension_semantics = [#tpu.dimension_semantics<arbitrary>], iteration_bounds = array<i64: 80>, scalar_prefetch = 0 : i64, scratch_operands = 0 : i64, tpu.core_type = #tpu.core_type<tc>, window_params = [{transform_indices = @transform_0, window_bounds = array<i64: 2048, 16>}, {pipeline_mode = #tpu.pipeline_mode<synchronous>, transform_indices = @transform_1, window_bounds = array<i64: 16, 256>}, {pipeline_mode = #tpu.pipeline_mode<synchronous>, transform_indices = @transform_2, window_bounds = array<i64: 1, 256>}, {transform_indices = @transform_3, window_bounds = array<i64: 2, 2048, 128>}]} {
    %get3A = arith.constant 0 : index
    %get3A_0 = arith.constant 0 : index
    %get3A_1 = vector.load %arg1[%get3A, %get3A_0] : memref<2048x16xf32, #tpu.memory_space<vmem>>, vector<2048x16xf32>
    %get3A_2 = arith.constant 0 : index
    %get3A_3 = arith.constant 0 : index
    %get3A_4 = vector.load %arg2[%get3A_2, %get3A_3] : memref<16x256xf32, #tpu.memory_space<vmem>>, vector<16x256xf32>
    %dot_general3A = arith.constant dense<0.000000e+00> : vector<2048x256xf32>
    %dot_general3A_5 = tpu.matmul %get3A_1, %get3A_4, %dot_general3A {dimension_numbers = #tpu.dot_dimension_numbers<[1], [0], [0], [1], [0, 0, 1, 1], [], []>, transpose_lhs_hint = false} : vector<2048x16xf32>, vector<16x256xf32>, vector<2048x256xf32> -> vector<2048x256xf32>
    %get3A_6 = arith.constant 0 : index
    %get3A_7 = arith.constant 0 : index
    %get3A_8 = vector.load %arg3[%get3A_6, %get3A_7] : memref<1x256xf32, #tpu.memory_space<vmem>>, vector<1x256xf32>
    %add3A = vector.broadcast %get3A_8 : vector<1x256xf32> to vector<2048x256xf32>
    %add3A_9 = arith.addf %dot_general3A_5, %add3A : vector<2048x256xf32>
    %slice3A = vector.extract_strided_slice %add3A_9 {offsets = [0, 0], sizes = [2048, 128], strides = [1, 1]} : vector<2048x256xf32> to vector<2048x128xf32>
    %swap3A = arith.constant 0 : index
    %swap3A_10 = arith.constant 0 : index
    %swap3A_11 = arith.constant 0 : index
    %swap3A_12 = vector.load %arg4[%swap3A, %swap3A_10, %swap3A_11] : memref<2x2048x128xf32, #tpu.memory_space<vmem>>, vector<1x2048x128xf32>
    %swap3A_13 = vector.shape_cast %swap3A_12 : vector<1x2048x128xf32> to vector<2048x128xf32>
    %swap3A_14 = vector.shape_cast %slice3A : vector<2048x128xf32> to vector<1x2048x128xf32>
    tpu.vector_store %arg4[%swap3A, %swap3A_10, %swap3A_11], %swap3A_14 {strides = array<i32>} : memref<2x2048x128xf32, #tpu.memory_space<vmem>>, vector<1x2048x128xf32>,
    %slice3A_15 = vector.extract_strided_slice %add3A_9 {offsets = [0, 128], sizes = [2048, 128], strides = [1, 1]} : vector<2048x256xf32> to vector<2048x128xf32>
    %swap3A_16 = arith.constant 1 : index
    %swap3A_17 = arith.constant 0 : index
    %swap3A_18 = arith.constant 0 : index
    %swap3A_19 = vector.load %arg4[%swap3A_16, %swap3A_17, %swap3A_18] : memref<2x2048x128xf32, #tpu.memory_space<vmem>>, vector<1x2048x128xf32>
    %swap3A_20 = vector.shape_cast %swap3A_19 : vector<1x2048x128xf32> to vector<2048x128xf32>
    %swap3A_21 = vector.shape_cast %slice3A_15 : vector<2048x128xf32> to vector<1x2048x128xf32>
    tpu.vector_store %arg4[%swap3A_16, %swap3A_17, %swap3A_18], %swap3A_21 {strides = array<i32>} : memref<2x2048x128xf32, #tpu.memory_space<vmem>>, vector<1x2048x128xf32>,
    return
  }
  func.func @transform_0(%arg0: i32) -> (i32, i32) {
    %c0_i32 = arith.constant 0 : i32
    %c0_i32_0 = arith.constant 0 : i32
    return %arg0, %c0_i32 : i32, i32
  }
  func.func @transform_1(%arg0: i32) -> (i32, i32) {
    %c0_i32 = arith.constant 0 : i32
    %c0_i32_0 = arith.constant 0 : i32
    %c0_i32_1 = arith.constant 0 : i32
    return %c0_i32, %c0_i32_0 : i32, i32
  }
  func.func @transform_2(%arg0: i32) -> (i32, i32) {
    %c0_i32 = arith.constant 0 : i32
    %c0_i32_0 = arith.constant 0 : i32
    %c0_i32_1 = arith.constant 0 : i32
    return %c0_i32, %c0_i32_0 : i32, i32
  }
  func.func @transform_3(%arg0: i32) -> (i32, i32, i32) {
    %c0_i32 = arith.constant 0 : i32
    %c0_i32_0 = arith.constant 0 : i32
    %c0_i32_1 = arith.constant 0 : i32
    return %c0_i32, %arg0, %c0_i32_0 : i32, i32, i32
  }
}

module attributes {stable_mosaic.version = 14 : i64} {
  func.func @_prep_body(%arg0: i32, %arg1: memref<1000x256xf32, #tpu.memory_space<vmem>>, %arg2: memref<256x256xf32, #tpu.memory_space<vmem>>, %arg3: memref<256x256xf32, #tpu.memory_space<vmem>>, %arg4: memref<1000x256xf32, #tpu.memory_space<vmem>>, %arg5: memref<2x1000x128xf32, #tpu.memory_space<vmem>>) attributes {dimension_semantics = [#tpu.dimension_semantics<arbitrary>], iteration_bounds = array<i64: 10>, scalar_prefetch = 0 : i64, scratch_operands = 0 : i64, tpu.core_type = #tpu.core_type<tc>, window_params = [{transform_indices = @transform_0, window_bounds = array<i64: 1000, 256>}, {pipeline_mode = #tpu.pipeline_mode<synchronous>, transform_indices = @transform_1, window_bounds = array<i64: 256, 256>}, {pipeline_mode = #tpu.pipeline_mode<synchronous>, transform_indices = @transform_2, window_bounds = array<i64: 256, 256>}, {transform_indices = @transform_3, window_bounds = array<i64: 1000, 256>}, {transform_indices = @transform_4, window_bounds = array<i64: 2, 1000, 128>}]} {
    %get3A = arith.constant 0 : index
    %get3A_0 = arith.constant 0 : index
    %get3A_1 = vector.load %arg1[%get3A, %get3A_0] : memref<1000x256xf32, #tpu.memory_space<vmem>>, vector<1000x256xf32>
    %get3A_2 = arith.constant 0 : index
    %get3A_3 = arith.constant 0 : index
    %get3A_4 = vector.load %arg2[%get3A_2, %get3A_3] : memref<256x256xf32, #tpu.memory_space<vmem>>, vector<256x256xf32>
    %dot_general3A = arith.constant dense<0.000000e+00> : vector<1000x256xf32>
    %dot_general3A_5 = tpu.matmul %get3A_1, %get3A_4, %dot_general3A {dimension_numbers = #tpu.dot_dimension_numbers<[1], [0], [0], [1], [0, 0, 1, 1], [], []>, transpose_lhs_hint = false} : vector<1000x256xf32>, vector<256x256xf32>, vector<1000x256xf32> -> vector<1000x256xf32>
    %max3A = arith.constant 0.000000e+00 : f32
    %max3A_6 = vector.broadcast %max3A : f32 to vector<1000x256xf32>
    %max3A_7 = arith.maximumf %dot_general3A_5, %max3A_6 : vector<1000x256xf32>
    %swap3A = arith.constant 0 : index
    %swap3A_8 = arith.constant 0 : index
    %swap3A_9 = vector.load %arg4[%swap3A, %swap3A_8] : memref<1000x256xf32, #tpu.memory_space<vmem>>, vector<1000x256xf32>
    tpu.vector_store %arg4[%swap3A, %swap3A_8], %max3A_7 {strides = array<i32>} : memref<1000x256xf32, #tpu.memory_space<vmem>>, vector<1000x256xf32>,
    %get3A_10 = arith.constant 0 : index
    %get3A_11 = arith.constant 0 : index
    %get3A_12 = vector.load %arg3[%get3A_10, %get3A_11] : memref<256x256xf32, #tpu.memory_space<vmem>>, vector<256x256xf32>
    %dot_general3A_13 = arith.constant dense<0.000000e+00> : vector<1000x256xf32>
    %dot_general3A_14 = tpu.matmul %max3A_7, %get3A_12, %dot_general3A_13 {dimension_numbers = #tpu.dot_dimension_numbers<[1], [0], [0], [1], [0, 0, 1, 1], [], []>, transpose_lhs_hint = false} : vector<1000x256xf32>, vector<256x256xf32>, vector<1000x256xf32> -> vector<1000x256xf32>
    %slice3A = vector.extract_strided_slice %dot_general3A_14 {offsets = [0, 0], sizes = [1000, 128], strides = [1, 1]} : vector<1000x256xf32> to vector<1000x128xf32>
    %swap3A_15 = arith.constant 0 : index
    %swap3A_16 = arith.constant 0 : index
    %swap3A_17 = arith.constant 0 : index
    %swap3A_18 = vector.load %arg5[%swap3A_15, %swap3A_16, %swap3A_17] : memref<2x1000x128xf32, #tpu.memory_space<vmem>>, vector<1x1000x128xf32>
    %swap3A_19 = vector.shape_cast %swap3A_18 : vector<1x1000x128xf32> to vector<1000x128xf32>
    %swap3A_20 = vector.shape_cast %slice3A : vector<1000x128xf32> to vector<1x1000x128xf32>
    tpu.vector_store %arg5[%swap3A_15, %swap3A_16, %swap3A_17], %swap3A_20 {strides = array<i32>} : memref<2x1000x128xf32, #tpu.memory_space<vmem>>, vector<1x1000x128xf32>,
    %slice3A_21 = vector.extract_strided_slice %dot_general3A_14 {offsets = [0, 128], sizes = [1000, 128], strides = [1, 1]} : vector<1000x256xf32> to vector<1000x128xf32>
    %swap3A_22 = arith.constant 1 : index
    %swap3A_23 = arith.constant 0 : index
    %swap3A_24 = arith.constant 0 : index
    %swap3A_25 = vector.load %arg5[%swap3A_22, %swap3A_23, %swap3A_24] : memref<2x1000x128xf32, #tpu.memory_space<vmem>>, vector<1x1000x128xf32>
    %swap3A_26 = vector.shape_cast %swap3A_25 : vector<1x1000x128xf32> to vector<1000x128xf32>
    %swap3A_27 = vector.shape_cast %slice3A_21 : vector<1000x128xf32> to vector<1x1000x128xf32>
    tpu.vector_store %arg5[%swap3A_22, %swap3A_23, %swap3A_24], %swap3A_27 {strides = array<i32>} : memref<2x1000x128xf32, #tpu.memory_space<vmem>>, vector<1x1000x128xf32>,
    return
  }
  func.func @transform_0(%arg0: i32) -> (i32, i32) {
    %c0_i32 = arith.constant 0 : i32
    %c0_i32_0 = arith.constant 0 : i32
    return %arg0, %c0_i32 : i32, i32
  }
  func.func @transform_1(%arg0: i32) -> (i32, i32) {
    %c0_i32 = arith.constant 0 : i32
    %c0_i32_0 = arith.constant 0 : i32
    %c0_i32_1 = arith.constant 0 : i32
    return %c0_i32, %c0_i32_0 : i32, i32
  }
  func.func @transform_2(%arg0: i32) -> (i32, i32) {
    %c0_i32 = arith.constant 0 : i32
    %c0_i32_0 = arith.constant 0 : i32
    %c0_i32_1 = arith.constant 0 : i32
    return %c0_i32, %c0_i32_0 : i32, i32
  }
  func.func @transform_3(%arg0: i32) -> (i32, i32) {
    %c0_i32 = arith.constant 0 : i32
    %c0_i32_0 = arith.constant 0 : i32
    return %arg0, %c0_i32 : i32, i32
  }
  func.func @transform_4(%arg0: i32) -> (i32, i32, i32) {
    %c0_i32 = arith.constant 0 : i32
    %c0_i32_0 = arith.constant 0 : i32
    %c0_i32_1 = arith.constant 0 : i32
    return %c0_i32, %arg0, %c0_i32_0 : i32, i32, i32
  }
}

module attributes {stable_mosaic.version = 14 : i64} {
  func.func @_out_body(%arg0: i32, %arg1: memref<2x1000x128xf32, #tpu.memory_space<vmem>>, %arg2: memref<1000x256xf32, #tpu.memory_space<vmem>>, %arg3: memref<512x256xf32, #tpu.memory_space<vmem>>, %arg4: memref<1x256xf32, #tpu.memory_space<vmem>>, %arg5: memref<1000x256xf32, #tpu.memory_space<vmem>>) attributes {dimension_semantics = [#tpu.dimension_semantics<arbitrary>], iteration_bounds = array<i64: 10>, scalar_prefetch = 0 : i64, scratch_operands = 0 : i64, tpu.core_type = #tpu.core_type<tc>, window_params = [{transform_indices = @transform_0, window_bounds = array<i64: 2, 1000, 128>}, {transform_indices = @transform_1, window_bounds = array<i64: 1000, 256>}, {pipeline_mode = #tpu.pipeline_mode<synchronous>, transform_indices = @transform_2, window_bounds = array<i64: 512, 256>}, {pipeline_mode = #tpu.pipeline_mode<synchronous>, transform_indices = @transform_3, window_bounds = array<i64: 1, 256>}, {transform_indices = @transform_4, window_bounds = array<i64: 1000, 256>}]} {
    %get3A = arith.constant 0 : index
    %get3A_0 = arith.constant 0 : index
    %get3A_1 = arith.constant 0 : index
    %get3A_2 = vector.load %arg1[%get3A, %get3A_0, %get3A_1] : memref<2x1000x128xf32, #tpu.memory_space<vmem>>, vector<1x1000x128xf32>
    %get3A_3 = vector.shape_cast %get3A_2 : vector<1x1000x128xf32> to vector<1000x128xf32>
    %get3A_4 = arith.constant 0 : index
    %get3A_5 = arith.constant 0 : index
    %get3A_6 = vector.load %arg3[%get3A_4, %get3A_5] : memref<512x256xf32, #tpu.memory_space<vmem>>, vector<128x256xf32>
    %dot_general3A = arith.constant dense<0.000000e+00> : vector<1000x256xf32>
    %dot_general3A_7 = tpu.matmul %get3A_3, %get3A_6, %dot_general3A {dimension_numbers = #tpu.dot_dimension_numbers<[1], [0], [0], [1], [0, 0, 1, 1], [], []>, transpose_lhs_hint = false} : vector<1000x128xf32>, vector<128x256xf32>, vector<1000x256xf32> -> vector<1000x256xf32>
    %get3A_8 = arith.constant 1 : index
    %get3A_9 = arith.constant 0 : index
    %get3A_10 = arith.constant 0 : index
    %get3A_11 = vector.load %arg1[%get3A_8, %get3A_9, %get3A_10] : memref<2x1000x128xf32, #tpu.memory_space<vmem>>, vector<1x1000x128xf32>
    %get3A_12 = vector.shape_cast %get3A_11 : vector<1x1000x128xf32> to vector<1000x128xf32>
    %get3A_13 = arith.constant 128 : index
    %get3A_14 = arith.constant 0 : index
    %get3A_15 = vector.load %arg3[%get3A_13, %get3A_14] : memref<512x256xf32, #tpu.memory_space<vmem>>, vector<128x256xf32>
    %dot_general3A_16 = arith.constant dense<0.000000e+00> : vector<1000x256xf32>
    %dot_general3A_17 = tpu.matmul %get3A_12, %get3A_15, %dot_general3A_16 {dimension_numbers = #tpu.dot_dimension_numbers<[1], [0], [0], [1], [0, 0, 1, 1], [], []>, transpose_lhs_hint = false} : vector<1000x128xf32>, vector<128x256xf32>, vector<1000x256xf32> -> vector<1000x256xf32>
    %add3A = arith.addf %dot_general3A_7, %dot_general3A_17 : vector<1000x256xf32>
    %get3A_18 = arith.constant 0 : index
    %get3A_19 = arith.constant 0 : index
    %get3A_20 = vector.load %arg2[%get3A_18, %get3A_19] : memref<1000x256xf32, #tpu.memory_space<vmem>>, vector<1000x256xf32>
    %get3A_21 = arith.constant 256 : index
    %get3A_22 = arith.constant 0 : index
    %get3A_23 = vector.load %arg3[%get3A_21, %get3A_22] : memref<512x256xf32, #tpu.memory_space<vmem>>, vector<256x256xf32>
    %dot_general3A_24 = arith.constant dense<0.000000e+00> : vector<1000x256xf32>
    %dot_general3A_25 = tpu.matmul %get3A_20, %get3A_23, %dot_general3A_24 {dimension_numbers = #tpu.dot_dimension_numbers<[1], [0], [0], [1], [0, 0, 1, 1], [], []>, transpose_lhs_hint = false} : vector<1000x256xf32>, vector<256x256xf32>, vector<1000x256xf32> -> vector<1000x256xf32>
    %add3A_26 = arith.addf %add3A, %dot_general3A_25 : vector<1000x256xf32>
    %get3A_27 = arith.constant 0 : index
    %get3A_28 = arith.constant 0 : index
    %get3A_29 = vector.load %arg4[%get3A_27, %get3A_28] : memref<1x256xf32, #tpu.memory_space<vmem>>, vector<1x256xf32>
    %add3A_30 = vector.broadcast %get3A_29 : vector<1x256xf32> to vector<1000x256xf32>
    %add3A_31 = arith.addf %add3A_26, %add3A_30 : vector<1000x256xf32>
    %max3A = arith.constant 0.000000e+00 : f32
    %max3A_32 = vector.broadcast %max3A : f32 to vector<1000x256xf32>
    %max3A_33 = arith.maximumf %add3A_31, %max3A_32 : vector<1000x256xf32>
    %swap3A = arith.constant 0 : index
    %swap3A_34 = arith.constant 0 : index
    %swap3A_35 = vector.load %arg5[%swap3A, %swap3A_34] : memref<1000x256xf32, #tpu.memory_space<vmem>>, vector<1000x256xf32>
    tpu.vector_store %arg5[%swap3A, %swap3A_34], %max3A_33 {strides = array<i32>} : memref<1000x256xf32, #tpu.memory_space<vmem>>, vector<1000x256xf32>,
    return
  }
  func.func @transform_0(%arg0: i32) -> (i32, i32, i32) {
    %c0_i32 = arith.constant 0 : i32
    %c0_i32_0 = arith.constant 0 : i32
    %c0_i32_1 = arith.constant 0 : i32
    return %c0_i32, %arg0, %c0_i32_0 : i32, i32, i32
  }
  func.func @transform_1(%arg0: i32) -> (i32, i32) {
    %c0_i32 = arith.constant 0 : i32
    %c0_i32_0 = arith.constant 0 : i32
    return %arg0, %c0_i32 : i32, i32
  }
  func.func @transform_2(%arg0: i32) -> (i32, i32) {
    %c0_i32 = arith.constant 0 : i32
    %c0_i32_0 = arith.constant 0 : i32
    %c0_i32_1 = arith.constant 0 : i32
    return %c0_i32, %c0_i32_0 : i32, i32
  }
  func.func @transform_3(%arg0: i32) -> (i32, i32) {
    %c0_i32 = arith.constant 0 : i32
    %c0_i32_0 = arith.constant 0 : i32
    %c0_i32_1 = arith.constant 0 : i32
    return %c0_i32, %c0_i32_0 : i32, i32
  }
  func.func @transform_4(%arg0: i32) -> (i32, i32) {
    %c0_i32 = arith.constant 0 : i32
    %c0_i32_0 = arith.constant 0 : i32
    return %arg0, %c0_i32 : i32, i32
  }
}

</mosaic_0001>

<sc_bundles>
// kernel: kernel.6.cloned.1.call-start
scs
__scs_entry_jumppad:
0x0: {  	(pc) =	sbr.rel $0x88, $3  }
0x1: {  	(tag) =	ssettag $0x0;
	lr =	simm.s32 $0x1  }
0x2: {  	[smem:$0x3F99] =	sst lr;
	_ =	strace $0xD0000000  }
0x3: {  	_ = 	snop  }
0x4: {  	_ = 	snop  }
0x5: {  	_ = 	snop  }
0x6: {  	_ = 	snop  }
0x7: {  	_ = 	snop  }
__scs_overlays_trampoline_lowered:
0x8: {  	[smem:$0x3FA8] =	sst s0  }
0x9: {  	[smem:$0x3FA9] =	sst s1  }
0xa: {  	[smem:$0x3FAA] =	sst s2  }
0xb: {  	[smem:$0x3FAB] =	sst s3  }
0xc: {  	[smem:$0x3FAC] =	sst s4  }
0xd: {  	[smem:$0x3FAD] =	sst s5  }
0xe: {  	[smem:$0x3FAE] =	sst s6  }
0xf: {  	[smem:$0x3FAF] =	sst s7  }
0x10: {  	[smem:$0x3FB0] =	sst s8  }
0x11: {  	[smem:$0x3FB1] =	sst s9;
	s0 =	simm.s32 @!p0 $0x0  }
0x12: {  	s1 =	sld [smem:$0x3F97];
	s0 =	simm.s32 @p0 $0x1  }
0x13: {  	[smem:$0x3FB2] =	sst s0;
	s0 =	simm.s32 @!p1 $0x0  }
0x14: {  	s2 =	sld [smem:$0x3F96];
	s0 =	simm.s32 @p1 $0x1  }
0x15: {  	[smem:$0x3FB3] =	sst s0;
	s0 =	simm.s32 @!p2 $0x0  }
0x16: {  	s3 =	sld [smem:$0x3FDB];
	s0 =	simm.s32 @p2 $0x1  }
0x17: {  	s4 =	simm.s32 $0x1BF5;
	[smem:$0x3FB5] =	sst s0  }
0x18: {  	s0 =	sld [smem:$0x3F98];
	_ =	swait.ge [sflag:s4], $0x0  }
0x19: {  	s7 =	sld [smem:$0x3F99]  }
0x1a: {  	s8 =	sadd.s32 $0xFFFFE003, lr  }
0x1b: {  	s9 =	sadd.s32 $0xFFFFFEF7, lr;
	s5 =	simm.s32 $0xFFFFFFFF;
	p2 =	slt.u32 s8, $0xFFFFF086  }
0x1c: {  	p1 =	slt.u32 s9, $0xF7A;
	s5 =	simm.s32 @!p2 $0x0  }
0x1d: {  	s5 =	simm.s32 @p1 $0x1;
	p0 =	seq.s32 s7, s2  }
0x1e: {  	s7 =	smul.u32 @!p0 $0xF7A, s2;
	p2 =	seq.s32 @!p0 s5, $0x0  }
0x1f: {  	s9 =	smul.u32 $0xF7A, s1;
	s8 =	simm.s32 @!p0 $0x1BF5;
	p2 =	por !p2, p0  }
0x20: {  	[sflag:s8] =	ssyncset.s32 @!p0 $0xFFFFF086;
	s6 =	sadd.s32 @!p0 s3, s7;
	s7 =	simm.s32 @!p0 $0x108  }
0x21: {  	s3 =	sadd.s32 s3, s9;
	s6 =	sadd.s32 @!p0 $0x88, s6;
	s7 =	simm.s32 @p2 $0x1082  }
0x22: {  	[simem:s7], [sflag:s8] =	dma.local @!p0 [hbm:s6], $0xF7A  }
0x23: {  	s9 =	sor.u32 $0xD0000000, s2;
	s6 =	simm.s32 $0x108;
	_ =	swait.ge @!p0 [sflag:s8], $0x0  }
0x24: {  	s3 =	sadd.s32 $0x88, s3;
	s6 =	simm.s32 @!p1 $0x1082;
	[sflag:s4] =	ssyncset.s32 $0xFFFFF086  }
0x25: {  	[simem:s6], [sflag:s4] =	dma.local [hbm:s3], $0xF7A  }
0x26: {  	[smem:$0x3F99] =	sst s1;
	(tag) =	ssettag s2;
	_ =	strace s9  }
0x27: {  	s1 =	sld [smem:$0x3FA9]  }
0x28: {  	s2 =	sld [smem:$0x3FAA]  }
0x29: {  	s4 =	sld [smem:$0x3FAC]  }
0x2a: {  	p0 =	seq.s32 s5, $0x0;
	s5 =	sld [smem:$0x3FAD]  }
0x2b: {  	s6 =	sld [smem:$0x3FAE]  }
0x2c: {  	s7 =	sld [smem:$0x3FAF]  }
0x2d: {  	s3 =	simm.s32 $0x108;
	s8 =	sld [smem:$0x3FB0]  }
0x2e: {  	s3 =	simm.s32 @!p0 $0x1082;
	s9 =	sld [smem:$0x3FB1]  }
0x2f: {  	lr =	sadd.s32 s0, s3;
	s0 =	sld [smem:$0x3FA8]  }
0x30: {  	s3 =	sld [smem:$0x3FAB]  }
0x31: {  	[smem:$0x3FB4] =	sst s10  }
0x32: {  	s10 =	sld [smem:$0x3FB2];
	_ =	sdelay $0x3  }
0x33: {  	p0 =	seq.s32 s10, $0x1;
	s10 =	sld [smem:$0x3FB4];
	_ =	sdelay $0x3  }
0x34: {  	[smem:$0x3FB4] =	sst s10  }
0x35: {  	s10 =	sld [smem:$0x3FB3];
	_ =	sdelay $0x3  }
0x36: {  	p1 =	seq.s32 s10, $0x1;
	s10 =	sld [smem:$0x3FB4];
	_ =	sdelay $0x3  }
0x37: {  	[smem:$0x3FB4] =	sst s10  }
0x38: {  	s10 =	sld [smem:$0x3FB5]  }
0x39: {  	_ = 	snop;
	(pc) =	sbr.ind lr, $3  }
0x3a: {  	_ = 	snop  }
0x3b: {  	_ = 	snop  }
0x3c: {  	p2 =	seq.s32 s10, $0x1;
	s10 =	sld [smem:$0x3FB4]  }
0x3d: {  	_ =	shalt  }
0x3e: {  	_ =	shalt  }
0x3f: {  	_ =	shalt  }
0x40: {  	_ =	shalt  }
0x41: {  	_ =	shalt  }
0x42: {  	_ =	shalt  }
0x43: {  	_ =	shalt  }
0x44: {  	_ =	shalt  }
0x45: {  	_ =	shalt  }
0x46: {  	_ =	shalt  }
0x47: {  	_ =	shalt  }
0x48: {  	_ =	shalt  }
0x49: {  	_ =	shalt  }
0x4a: {  	_ =	shalt  }
0x4b: {  	_ =	shalt  }
0x4c: {  	_ =	shalt  }
0x4d: {  	_ =	shalt  }
0x4e: {  	_ =	shalt  }
0x4f: {  	_ =	shalt  }
0x50: {  	_ =	shalt  }
0x51: {  	_ =	shalt  }
0x52: {  	_ =	shalt  }
0x53: {  	_ =	shalt  }
0x54: {  	_ =	shalt  }
0x55: {  	_ =	shalt  }
0x56: {  	_ =	shalt  }
0x57: {  	_ =	shalt  }
0x58: {  	_ =	shalt  }
0x59: {  	_ =	shalt  }
0x5a: {  	_ =	shalt  }
0x5b: {  	_ =	shalt  }
0x5c: {  	_ =	shalt  }
0x5d: {  	_ =	shalt  }
0x5e: {  	_ =	shalt  }
0x5f: {  	_ =	shalt  }
0x60: {  	_ =	shalt  }
0x61: {  	_ =	shalt  }
0x62: {  	_ =	shalt  }
0x63: {  	_ =	shalt  }
0x64: {  	_ =	shalt  }
0x65: {  	_ =	shalt  }
0x66: {  	_ =	shalt  }
0x67: {  	_ =	shalt  }
0x68: {  	_ =	shalt  }
0x69: {  	_ =	shalt  }
0x6a: {  	_ =	shalt  }
0x6b: {  	_ =	shalt  }
0x6c: {  	_ =	shalt  }
0x6d: {  	_ =	shalt  }
0x6e: {  	_ =	shalt  }
0x6f: {  	_ =	shalt  }
0x70: {  	_ =	shalt  }
0x71: {  	_ =	shalt  }
0x72: {  	_ =	shalt  }
0x73: {  	_ =	shalt  }
0x74: {  	_ =	shalt  }
0x75: {  	_ =	shalt  }
0x76: {  	_ =	shalt  }
0x77: {  	_ =	shalt  }
0x78: {  	_ =	shalt  }
0x79: {  	_ =	shalt  }
0x7a: {  	_ =	shalt  }
0x7b: {  	_ =	shalt  }
0x7c: {  	_ =	shalt  }
0x7d: {  	_ =	shalt  }
0x7e: {  	_ =	shalt  }
0x7f: {  	_ =	shalt  }
0x80: {  	_ =	shalt  }
0x81: {  	_ =	shalt  }
0x82: {  	_ =	shalt  }
0x83: {  	_ =	shalt  }
0x84: {  	_ =	shalt  }
0x85: {  	_ =	shalt  }
0x86: {  	_ =	shalt  }
0x87: {  	_ =	shalt  }
.Lfunc_end0:
.L_simem_size_0:
called_computation_lowered:
.L_overlay_start_0:
0x88: {  	s2 =	sld [smem:$0x3FD9]  }
0x89: {  	s3 =	sld [smem:$0x3FFE];
	_ =	sdelay $0x1  }
0x8a: {  	s1 =	srdreg.scid  }
0x8b: {  	s0 =	sand.u32 $0x1, s1  }
0x8c: {  	s17 =	sshll.u32 s0, $0xA;
	s2 =	sadd.s32 s3, s2  }
0x8d: {  	s2 =	sadd.s32 s2, s17  }
0x8e: {  	[smem:$0x3FC0] =	sst s2  }
0x8f: {  	_ = 	snop  }
0x90: {  	s2 =	sld [smem:$0x3FD0];
	(tm) =	ssettm $0x1  }
0x91: {  	s18 =	sld [smem:$0x3FFB];
	_ =	sdelay $0x3  }
0x92: {  	_ =	strace s18  }
0x93: {  	s3 =	sld [smem:$0x3FFC];
	_ =	sdelay $0x3  }
0x94: {  	_ =	strace s3  }
0x95: {  	s3 =	sld [smem:$0x3FFD];
	_ =	sdelay $0x3  }
0x96: {  	_ =	strace s3  }
0x97: {  	_ =	strace $0x8FFFFFFF  }
0x98: {  	s19 =	sld [smem:$0x3FDB];
	_ =	sdelay $0x1  }
0x99: {  	s4 =	simm.s32 $_scs_section_size  }
0x9a: {  	s5 =	simm.s32 $_size__tile_overlayer_lowered;
	s6 =	simm.s32 $_tile_overlayer_lowered  }
0x9b: {  	s22 =	simm.s32 $0x1BFF;
	s21 =	sshll.u32 s6, $0x1;
	s3 =	sadd.s32 s4, s19  }
0x9c: {  	s7 =	simm.s32 $0x0;
	s20 =	sshll.u32 s5, $0x1;
	s5 =	sadd.s32 s21, s3  }
0x9d: {  	[timem:s7], [sflag:s22] =	dma.local [hbm:s5], s20  }
0x9e: {  	_ =	swait.ge [sflag:s22], s20  }
0x9f: {  	s4 =	ssub.s32 $0x0, s20;
	[sflag:s22] =	ssyncset.done $0x0  }
0xa0: {  	[sflag:s22] =	ssyncadd.s32 s4;
	_ =	sdelay $0x1  }
0xa1: {  	s23 =	simm.s32 $0x1B8B  }
0xa2: {  	_ =	swait.ge [sflag:s23], $0x1  }
0xa3: {  	[sflag:s23] =	ssyncset.done $0x0  }
0xa4: {  	s25 =	simm.s32 $0x1B8E;
	s24 =	sld [smem:$0x3FFE];
	[sflag:s23] =	ssyncadd.s32 $0xFFFFFFFF  }
0xa5: {  	s26 =	simm.s32 $execute0_lowered;
	[smem:$0x3FD2] =	sst s25  }
0xa6: {  	s5 =	sshll.u32 s26, $0x1;
	_ =	strace $0x80000046;
	[dreg:$0x1] =	wrdreg $0xFFFFFFFF  }
0xa7: {  	s28 =	simm.s32 $_size_execute0_lowered;
	s3 =	sadd.s32 s3, s5;
	[dreg:$0x0] =	wrdreg $0x0  }
0xa8: {  	s5 =	sshll.u32 s28, $0x1;
	[dreg:$0x2] =	wrdreg s3  }
0xa9: {  	[dreg:$0x3] =	wrdreg s5  }
0xaa: {  	[dreg:$0x4] =	wrdreg $0xC0  }
0xab: {  	_ =	task [dreg:s7], $0x5FFFF  }
0xac: {  	[dreg:$0x1] =	wrdreg $0xFFFFFFFF  }
0xad: {  	[dreg:$0x0] =	wrdreg $0x60  }
0xae: {  	[dreg:$0x2] =	wrdreg s2  }
0xaf: {  	[dreg:$0x3] =	wrdreg s24  }
0xb0: {  	[dreg:$0x4] =	wrdreg $0x84000  }
0xb1: {  	[dreg:$0x5] =	wrdreg $0x9  }
0xb2: {  	_ =	task.clear_ibuf [dreg:s7], $0x6FFFF;
	_ =	strace $0x90000046  }
0xb3: {  	s29 =	simm.s32 $0x9;
	_ =	strace $0x80000048  }
0xb4: {  	_ =	swait.ge [sflag:s29], $0x1  }
0xb5: {  	[sflag:s29] =	ssyncadd.s32 $0xFFFFFFFF  }
0xb6: {  	_ =	strace $0x90000048  }
0xb7: {  	_ =	sfence  }
0xb8: {  	s30 =	sld [smem:$0x0];
	_ =	sdelay $0x2  }
0xb9: {  	s31 =	sshll.u32 s1, $0xD;
	s1 =	sshrl.u32 s1, $0x2  }
0xba: {  	s3 =	sand.u32 $0x4000, s31;
	s1 =	sadd.s32 s1, s30  }
0xbb: {  	s0 =	sor.u32 s3, s0;
	s1 =	sshll.u32 s1, $0x11  }
0xbc: {  	s0 =	sor.u32 s1, s0  }
0xbd: {  	s0 =	sadd.s32 $0x8F2B, s0  }
0xbe: {  	[sflag:s0] =	ssyncadd.remote.s32 $0x1  }
0xbf: {  	_ =	sfence.sel $0xFFFF  }
0xc0: {  	[dreg:$0x0] =	wrdreg $0xFFFFFFFF;
	(pc) =	sbr.abs _section_cstart, $3  }
0xc1: {  	[dreg:$0x1] =	wrdreg $0xFFFFFFFF  }
0xc2: {  	_ =	task.clear_ibuf [dreg:s7], $0x2FFFF;
	_ =	strace $0x9FFFFFFF  }
0xc3: {  	(tm) =	ssettm $0x7FFFFFFF  }
tec
execute0_lowered:
.L_overlay_start_1:
0x0: {  	(tag) =	ssettag $0x1  }
0x1: {  	s1 =	rddreg [dreg:$0x0]  }
0x2: {  	s0 =	srdreg.scid;
	s9 =	rddreg [dreg:$0x1]  }
0x3: {  	s14 =	stileid.u32;
	s4 =	rddreg [dreg:$0x2]  }
0x4: {  	s5 =	simm.s32 $0x0;
	s28 =	simm.s32 $0x5;
	s29 =	simm.s32 $0x7  }
0x5: {  	s30 =	simm.s32 $0x6;
	s31 =	simm.s32 $0x8;
	s0 =	sand.u32 $0x1, s0  }
0x6: {  	s3 =	smul.u32 $0x2800, s14;
	[smem:$0x7FF] =	sst s5;
	s7 =	sadd.s32 $0xE00, s9  }
0x7: {  	s10 =	smul.u32 $0x50000, s14;
	s8 =	sadd.s32 $0xAE00, s9;
	s20 =	sshll.u32 s14, $0x6  }
0x8: {  	s2 =	smul.u32 $0x28000, s0;
	_ =	strace $0x80000047;
	s0 =	ssub.s32 $0x2, s0  }
0x9: {  	s11 =	sadd.s32 s3, s9;
	s12 =	sshrl.u32 s0, $0x1;
	s10 =	sshrl.u32 s10, $0x2  }
0xa: {  	s22 =	sshrl.u32 s3, $0x3;
	s6 =	sadd.s32 s3, s2;
	s0 =	ssub.s32 s0, s12  }
0xb: {  	s13 =	sadd.s32 s10, s4;
	s19 =	sadd.s32 $0x5E000, s11;
	s10 =	sor.u32 $0x1C09, s20  }
0xc: {  	s12 =	sadd.s32 s8, s22;
	s20 =	simm.s32 $0x9;
	s22 =	simm.s32 $0x40  }
0xd: {  	s2 =	sshll.u32 s6, $0x4;
	[dreg:$0x4] =	wrdreg s19;
	s21 =	sshrl.u32 s6, $0x3  }
0xe: {  	s25 =	sadd.s32 $0x8, s12;
	s18 =	smax.u32 s0, $0x1;
	s19 =	sshrl.u32 s13, $0x3  }
0xf: {  	s0 =	simm.s32 $0xA;
	s2 =	sadd.s32 s2, s9;
	s11 =	sadd.s32 s7, s21  }
.Ltmp0:
0x10: {  	[dreg:$0x7] =	wrdreg s25;
	s23 =	sadd.s32 $0x4F1E00, s2;
	(pc) =	sbr.rel .LBB2_1-.Ltmp0, $4  }
0x11: {  	s9 =	sadd.s32 s6, s9;
	s24 =	sadd.s32 $0x8, s11;
	[dreg:$0x5] =	wrdreg s23  }
0x12: {  	s21 =	simm.s32 $0x380;
	s26 =	sadd.s32 $0x86000, s9;
	[dreg:$0x6] =	wrdreg s24  }
0x13: {  	s16 =	sadd.s32 $0x4F2200, s2;
	s2 =	simm.s32 $0x2400;
	[dreg:$0x8] =	wrdreg s26  }
0x14: {  	s23 =	simm.s32 $0x400;
	s26 =	simm.s32 $0x280;
	s24 =	simm.s32 $0x0  }
.LBB2_20:
0x15: {  	s24 =	sadd.s32 $0x1, s24  }
0x16: {  	[bflag:$0x0] =	sbarrier.arrive $0xFFFF;
	p0 =	sne.s32 s24, s18  }
.Ltmp1:
0x17: {  	s9 =	rddreg [dreg:$0x8];
	(pc) =	sbr.rel @!p0 .LBB2_21-.Ltmp1, $4  }
0x18: {  	[hbm:s9], [sflag:s10] =	dma.local [spmem:s19], $0x2800  }
0x19: {  	_ =	swait.ge [sflag:s20], $0x2800  }
0x1a: {  	[sflag:s20] =	ssyncset.done $0x0  }
0x1b: {  	[sflag:s20] =	ssyncadd.s32 $0xFFFFD800  }
.LBB2_1:
0x1c: {  	s9 =	rddreg [dreg:$0x4]  }
0x1d: {  	[spmem:s19], [sflag:s10] =	dma.local [hbm:s9], $0x2800  }
0x1e: {  	_ =	swait.ge [sflag:s20], $0x2800  }
0x1f: {  	[sflag:s20] =	ssyncset.done $0x0  }
0x20: {  	[sflag:s20] =	ssyncadd.s32 $0xFFFFD800  }
0x21: {  	[bflag:$0x0] =	sbarrier.arrive $0xFFFF  }
0x22: {  	[tilespmem:s5], [sflag:$0x9] =	stream.linear.gather [hbm4b:s11+s5], $0x40, $0x38;
	[tilespmem:$0x1C400] =	vst v63  }
0x23: {  	_ =	swait.ge [sflag:s20], $0x40  }
0x24: {  	[sflag:s20] =	ssyncset.done $0x0  }
0x25: {  	s13 =	simm.s32 $0x200;
	[sflag:s20] =	ssyncadd.s32 $0xFFFFFFC0  }
0x26: {  	[tilespmem:s13], [sflag:$0x9] =	stream.linear.gather [hbm4b:s12+s5], $0x40, $0x38;
	[tilespmem:$0x1C400] =	vst v63  }
0x27: {  	_ =	swait.ge [sflag:s20], $0x40  }
0x28: {  	[sflag:s20] =	ssyncset.done $0x0  }
0x29: {  	[sflag:s20] =	ssyncadd.s32 $0xFFFFFFC0  }
0x2a: {  	[tilespmem:s23], [sflag:$0x5] =	stream.indirect.gather [hbm4b:s1+s22], $0x80, s5, s22, $0xb8;
	[tilespmem:$0x1C400] =	vst v63  }
0x2b: {  	s13 =	simm.s32 $0x4400;
	s14 =	rddreg [dreg:$0x5]  }
0x2c: {  	[tilespmem:s13], [sflag:$0x7] =	stream.linear.gather [hbm4b:s14+s5], $0x2000, $0x38;
	[tilespmem:$0x1C400] =	vst v63  }
.Ltmp2:
0x2d: {  	s17 =	simm.s32 $0x80;
	s15 =	rddreg [dreg:$0x6];
	(pc) =	sbr.rel .LBB2_2-.Ltmp2, $4  }
0x2e: {  	[tilespmem:s17], [sflag:$0x2] =	stream.linear.gather [hbm4b:s15+s5], $0x40, $0x38;
	[tilespmem:$0x1C400] =	vst v63  }
0x2f: {  	s25 =	rddreg [dreg:$0x7]  }
0x30: {  	[tilespmem:s26], [sflag:$0x2] =	stream.linear.gather [hbm4b:s25+s5], $0x40, $0x38;
	[tilespmem:$0x1C400] =	vst v63  }
0x31: {  	s25 =	simm.s32 $0x0  }
.LBB2_18:
0x32: {  	_ =	swait.ge [sflag:s9], $0x2000  }
0x33: {  	[sflag:s9] =	ssyncset.done $0x0  }
0x34: {  	[sflag:s9] =	ssyncadd.s32 $0xFFFFE000  }
.LBB2_19:
0x35: {  	s25 =	sadd.s32 $0x1, s25  }
0x36: {  	p0 =	sne.s32 s25, $0xA0  }
.Ltmp3:
0x37: {  	_ = 	snop;
	(pc) =	sbr.rel @!p0 .LBB2_20-.Ltmp3, $1  }
0x38: {  	_ =	sdelay $0x3  }
.LBB2_2:
0x39: {  	s9 =	sand.u32 $0x3, s25  }
0x3a: {  	p0 =	sgt.s32 s9, $0x1  }
.Ltmp4:
0x3b: {  	_ = 	snop;
	(pc) =	sbr.rel @p0 .LBB2_10-.Ltmp4, $1  }
0x3c: {  	_ =	sdelay $0x3  }
0x3d: {  	p0 =	seq.s32 s9, $0x0  }
.Ltmp5:
0x3e: {  	_ = 	snop;
	(pc) =	sbr.rel @!p0 .LBB2_7-.Ltmp5, $1  }
0x3f: {  	_ =	sdelay $0x3  }
0x40: {  	p0 =	seq.s32 s25, $0x9F  }
0x41: {  	s13 =	simm.s32 @!p0 $0x2  }
0x42: {  	_ =	swait.ge @!p0 [sflag:s13], $0x40  }
0x43: {  	[sflag:s13] =	ssyncset.done @!p0 $0x0  }
0x44: {  	[sflag:s13] =	ssyncadd.s32 @!p0 $0xFFFFFFC0  }
0x45: {  	_ =	swait.ge @!p0 [sflag:s13], $0x40  }
0x46: {  	s14 =	simm.s32 @!p0 $0x80;
	[sflag:s13] =	ssyncset.done @!p0 $0x0  }
0x47: {  	s15 =	simm.s32 @!p0 $0x2400;
	[sflag:s13] =	ssyncadd.s32 @!p0 $0xFFFFFFC0;
	s13 =	simm.s32 @!p0 $0x40  }
0x48: {  	[tilespmem:s15], [sflag:$0x6] =	stream.indirect.gather @!p0 [hbm4b:s1+s13], $0x80, s14, s13, $0xb8;
	[tilespmem:$0x1C400] =	vst v63  }
0x49: {  	p1 =	sgt.u32 @!p0 s25, $0x9D;
	s13 =	sshll.u32 @!p0 s25, $0xA  }
0x4a: {  	s14 =	simm.s32 @!p0 $0x0;
	s15 =	simm.s32 @!p0 $0x6400;
	s13 =	sadd.s32 @!p0 s13, s16  }
0x4b: {  	[tilespmem:s15], [sflag:$0x8] =	stream.linear.gather @!p0 [hbm4b:s13+s14], $0x2000, $0x38;
	[tilespmem:$0x1C400] =	vst v63  }
0x4c: {  	p0 =	por p1, p0  }
0x4d: {  	s13 =	sshll.u32 @!p0 s25, $0x6  }
0x4e: {  	s13 =	sadd.s32 @!p0 $0x80, s13  }
0x4f: {  	s14 =	sadd.s32 @!p0 s6, s13  }
0x50: {  	s15 =	simm.s32 @!p0 $0x0;
	s13 =	sadd.s32 @!p0 s3, s13;
	s14 =	sshrl.u32 @!p0 s14, $0x3  }
0x51: {  	s17 =	simm.s32 @!p0 $0x100;
	s13 =	sshrl.u32 @!p0 s13, $0x3;
	s14 =	sadd.s32 @!p0 s7, s14  }
0x52: {  	[tilespmem:s17], [sflag:$0x3] =	stream.linear.gather @!p0 [hbm4b:s14+s15], $0x40, $0x38;
	[tilespmem:$0x1C400] =	vst v63  }
0x53: {  	s13 =	sadd.s32 @!p0 s8, s13;
	s14 =	simm.s32 @!p0 $0x300  }
0x54: {  	[tilespmem:s14], [sflag:$0x3] =	stream.linear.gather @!p0 [hbm4b:s13+s15], $0x40, $0x38;
	[tilespmem:$0x1C400] =	vst v63  }
0x55: {  	_ =	swait.ge [sflag:s28], $0x2000  }
0x56: {  	[sflag:s28] =	ssyncset.done $0x0  }
0x57: {  	[sflag:s28] =	ssyncadd.s32 $0xFFFFE000  }
0x58: {  	_ =	swait.ge [sflag:s29], $0x2000  }
0x59: {  	[sflag:s29] =	ssyncset.done $0x0  }
0x5a: {  	s13 =	simm.s32 $0x0;
	[sflag:s29] =	ssyncadd.s32 $0xFFFFE000  }
0x5b: {  	v6 =	vld [tilespmem:s13+$0x4400]  }
0x5c: {  	v11 =	vld [tilespmem:s13+$0x4410]  }
0x5d: {  	v5 =	vld [tilespmem:s13+$0x4420]  }
0x5e: {  	v4 =	vld [tilespmem:s13+$0x4430]  }
0x5f: {  	v3 =	vld [tilespmem:s13+$0x4440]  }
0x60: {  	v2 =	vld [tilespmem:s13+$0x4450]  }
0x61: {  	v1 =	vld [tilespmem:s13+$0x4460]  }
0x62: {  	v0 =	vld [tilespmem:s13+$0x4470]  }
0x63: {  	v12 =	vld [tilespmem:s13+$0x400]  }
0x64: {  	p0 =	por $0x0, $0x0;
	v13 =	vld [tilespmem:s13+$0x410]  }
.Ltmp6:
0x65: {  	v10 =	vld [tilespmem:s13+$0x420];
	(pc) =	sbr.rel @p0 .LBB2_6-.Ltmp6, $4  }
0x66: {  	v9 =	vld [tilespmem:s13+$0x430]  }
0x67: {  	v8 =	vld [tilespmem:s13+$0x440]  }
0x68: {  	v7 =	vld [tilespmem:s13+$0x450];
	v12 =	vadd.f32 v6, v12  }
0x69: {  	s14 =	simm.s32 $0x200;
	v11 =	vadd.f32 v11, v13;
	v6 =	vld [tilespmem:s13+$0x460]  }
.LBB2_5:
0x6a: {  	s15 =	sshra.s32 s14, $0x2;
	p0 =	seq.s32 s14, $0x7E00;
	v12 =	vmax.f32 v12, $0.0e+00;
	v5 =	vadd.f32 v5, v10;
	v10 =	vld [tilespmem:s13+$0x470]  }
0x6b: {  	v13 =	vld [tilespmem:s15+$0x4400];
	[tilespmem:s13+$0x400] =	vst v12;
	v11 =	vmax.f32 v11, $0.0e+00;
	v4 =	vadd.f32 v4, v9  }
0x6c: {  	v14 =	vld [tilespmem:s15+$0x4410];
	[tilespmem:s13+$0x410] =	vst v11;
	v9 =	vmax.f32 v5, $0.0e+00;
	v3 =	vadd.f32 v3, v8  }
0x6d: {  	v5 =	vld [tilespmem:s15+$0x4420];
	[tilespmem:s13+$0x420] =	vst v9;
	v8 =	vmax.f32 v4, $0.0e+00;
	v2 =	vadd.f32 v2, v7  }
0x6e: {  	v4 =	vld [tilespmem:s15+$0x4430];
	[tilespmem:s13+$0x430] =	vst v8;
	v7 =	vmax.f32 v3, $0.0e+00;
	v1 =	vadd.f32 v1, v6  }
0x6f: {  	v3 =	vld [tilespmem:s15+$0x4440];
	[tilespmem:s13+$0x440] =	vst v7;
	v6 =	vmax.f32 v2, $0.0e+00;
	v0 =	vadd.f32 v0, v10  }
0x70: {  	v2 =	vld [tilespmem:s15+$0x4450];
	[tilespmem:s13+$0x450] =	vst v6;
	v6 =	vmax.f32 v1, $0.0e+00  }
0x71: {  	v1 =	vld [tilespmem:s15+$0x4460];
	[tilespmem:s13+$0x460] =	vst v6;
	v6 =	vmax.f32 v0, $0.0e+00  }
0x72: {  	v0 =	vld [tilespmem:s15+$0x4470];
	[tilespmem:s13+$0x470] =	vst v6;
	s13 =	smov.u32 s15  }
0x73: {  	v6 =	vld [tilespmem:s13+$0x400]  }
0x74: {  	v11 =	vld [tilespmem:s13+$0x410]  }
.Ltmp7:
0x75: {  	v10 =	vld [tilespmem:s13+$0x420];
	(pc) =	sbr.rel @!p0 .LBB2_5-.Ltmp7, $4  }
0x76: {  	v9 =	vld [tilespmem:s13+$0x430]  }
0x77: {  	v8 =	vld [tilespmem:s13+$0x440]  }
0x78: {  	v12 =	vadd.f32 v13, v6;
	v7 =	vld [tilespmem:s13+$0x450]  }
0x79: {  	s14 =	sadd.s32 $0x200, s14;
	v11 =	vadd.f32 v14, v11;
	v6 =	vld [tilespmem:s13+$0x460]  }
.LBB2_6:
0x7a: {  	v12 =	vmax.f32 v12, $0.0e+00;
	v5 =	vadd.f32 v5, v10;
	v63 =	vld [tilespmem:s13+$0x470]  }
0x7b: {  	[tilespmem:s13+$0x400] =	vst v12;
	v11 =	vmax.f32 v11, $0.0e+00;
	v4 =	vadd.f32 v4, v9  }
0x7c: {  	[tilespmem:s13+$0x410] =	vst v11;
	v5 =	vmax.f32 v5, $0.0e+00;
	v3 =	vadd.f32 v3, v8  }
0x7d: {  	[tilespmem:s13+$0x420] =	vst v5;
	v4 =	vmax.f32 v4, $0.0e+00;
	v2 =	vadd.f32 v2, v7  }
.Ltmp8:
0x7e: {  	[tilespmem:s13+$0x430] =	vst v4;
	v3 =	vmax.f32 v3, $0.0e+00;
	v1 =	vadd.f32 v1, v6;
	(pc) =	sbr.rel .LBB2_14-.Ltmp8, $4  }
0x7f: {  	[tilespmem:s13+$0x440] =	vst v3;
	v2 =	vmax.f32 v2, $0.0e+00;
	v0 =	vadd.f32 v0, v63  }
0x80: {  	[tilespmem:s13+$0x450] =	vst v2;
	v1 =	vmax.f32 v1, $0.0e+00  }
0x81: {  	[tilespmem:s13+$0x460] =	vst v1;
	v0 =	vmax.f32 v0, $0.0e+00  }
0x82: {  	[tilespmem:s13+$0x470] =	vst v0;
	s13 =	simm.s32 $0x200  }
.LBB2_10:
0x83: {  	p0 =	seq.s32 s9, $0x2  }
.Ltmp9:
0x84: {  	_ = 	snop;
	(pc) =	sbr.rel @!p0 .LBB2_15-.Ltmp9, $1  }
0x85: {  	_ =	sdelay $0x3  }
0x86: {  	p0 =	seq.s32 s25, $0x9F  }
0x87: {  	s13 =	simm.s32 @!p0 $0x4  }
0x88: {  	_ =	swait.ge @!p0 [sflag:s13], $0x40  }
0x89: {  	[sflag:s13] =	ssyncset.done @!p0 $0x0  }
0x8a: {  	[sflag:s13] =	ssyncadd.s32 @!p0 $0xFFFFFFC0  }
0x8b: {  	_ =	swait.ge @!p0 [sflag:s13], $0x40  }
0x8c: {  	s14 =	simm.s32 @!p0 $0x180;
	[sflag:s13] =	ssyncset.done @!p0 $0x0  }
0x8d: {  	s15 =	simm.s32 @!p0 $0x2400;
	[sflag:s13] =	ssyncadd.s32 @!p0 $0xFFFFFFC0;
	s13 =	simm.s32 @!p0 $0x40  }
0x8e: {  	[tilespmem:s15], [sflag:$0x6] =	stream.indirect.gather @!p0 [hbm4b:s1+s13], $0x80, s14, s13, $0xb8;
	[tilespmem:$0x1C400] =	vst v63  }
0x8f: {  	p1 =	sgt.u32 @!p0 s25, $0x9D;
	s13 =	sshll.u32 @!p0 s25, $0xA  }
0x90: {  	s14 =	simm.s32 @!p0 $0x0;
	s15 =	simm.s32 @!p0 $0x6400;
	s13 =	sadd.s32 @!p0 s13, s16  }
0x91: {  	[tilespmem:s15], [sflag:$0x8] =	stream.linear.gather @!p0 [hbm4b:s13+s14], $0x2000, $0x38;
	[tilespmem:$0x1C400] =	vst v63  }
0x92: {  	p0 =	por p1, p0  }
0x93: {  	s13 =	sshll.u32 @!p0 s25, $0x6  }
0x94: {  	s13 =	sadd.s32 @!p0 $0x80, s13  }
0x95: {  	s14 =	sadd.s32 @!p0 s6, s13  }
0x96: {  	s13 =	sadd.s32 @!p0 s3, s13;
	s14 =	sshrl.u32 @!p0 s14, $0x3  }
0x97: {  	s15 =	simm.s32 @!p0 $0x0;
	s13 =	sshrl.u32 @!p0 s13, $0x3;
	s14 =	sadd.s32 @!p0 s7, s14  }
0x98: {  	[tilespmem:s15], [sflag:$0x1] =	stream.linear.gather @!p0 [hbm4b:s14+s15], $0x40, $0x38;
	[tilespmem:$0x1C400] =	vst v63  }
0x99: {  	s13 =	sadd.s32 @!p0 s8, s13;
	s14 =	simm.s32 @!p0 $0x200  }
0x9a: {  	[tilespmem:s14], [sflag:$0x1] =	stream.linear.gather @!p0 [hbm4b:s13+s15], $0x40, $0x38;
	[tilespmem:$0x1C400] =	vst v63  }
0x9b: {  	_ =	swait.ge [sflag:s28], $0x2000  }
0x9c: {  	[sflag:s28] =	ssyncset.done $0x0  }
0x9d: {  	[sflag:s28] =	ssyncadd.s32 $0xFFFFE000  }
0x9e: {  	_ =	swait.ge [sflag:s29], $0x2000  }
0x9f: {  	[sflag:s29] =	ssyncset.done $0x0  }
0xa0: {  	s13 =	simm.s32 $0x0;
	[sflag:s29] =	ssyncadd.s32 $0xFFFFE000  }
0xa1: {  	v6 =	vld [tilespmem:s13+$0x4400]  }
0xa2: {  	v11 =	vld [tilespmem:s13+$0x4410]  }
0xa3: {  	v5 =	vld [tilespmem:s13+$0x4420]  }
0xa4: {  	v4 =	vld [tilespmem:s13+$0x4430]  }
0xa5: {  	v3 =	vld [tilespmem:s13+$0x4440]  }
0xa6: {  	v2 =	vld [tilespmem:s13+$0x4450]  }
0xa7: {  	v1 =	vld [tilespmem:s13+$0x4460]  }
0xa8: {  	v0 =	vld [tilespmem:s13+$0x4470]  }
0xa9: {  	v12 =	vld [tilespmem:s13+$0x400]  }
0xaa: {  	p0 =	por $0x0, $0x0;
	v13 =	vld [tilespmem:s13+$0x410]  }
.Ltmp10:
0xab: {  	v10 =	vld [tilespmem:s13+$0x420];
	(pc) =	sbr.rel @p0 .LBB2_13-.Ltmp10, $4  }
0xac: {  	v9 =	vld [tilespmem:s13+$0x430]  }
0xad: {  	v8 =	vld [tilespmem:s13+$0x440]  }
0xae: {  	v7 =	vld [tilespmem:s13+$0x450];
	v12 =	vadd.f32 v6, v12  }
0xaf: {  	s14 =	simm.s32 $0x200;
	v11 =	vadd.f32 v11, v13;
	v6 =	vld [tilespmem:s13+$0x460]  }
.LBB2_12:
0xb0: {  	s15 =	sshra.s32 s14, $0x2;
	p0 =	seq.s32 s14, $0x7E00;
	v12 =	vmax.f32 v12, $0.0e+00;
	v5 =	vadd.f32 v5, v10;
	v10 =	vld [tilespmem:s13+$0x470]  }
0xb1: {  	v13 =	vld [tilespmem:s15+$0x4400];
	[tilespmem:s13+$0x400] =	vst v12;
	v11 =	vmax.f32 v11, $0.0e+00;
	v4 =	vadd.f32 v4, v9  }
0xb2: {  	v14 =	vld [tilespmem:s15+$0x4410];
	[tilespmem:s13+$0x410] =	vst v11;
	v9 =	vmax.f32 v5, $0.0e+00;
	v3 =	vadd.f32 v3, v8  }
0xb3: {  	v5 =	vld [tilespmem:s15+$0x4420];
	[tilespmem:s13+$0x420] =	vst v9;
	v8 =	vmax.f32 v4, $0.0e+00;
	v2 =	vadd.f32 v2, v7  }
0xb4: {  	v4 =	vld [tilespmem:s15+$0x4430];
	[tilespmem:s13+$0x430] =	vst v8;
	v7 =	vmax.f32 v3, $0.0e+00;
	v1 =	vadd.f32 v1, v6  }
0xb5: {  	v3 =	vld [tilespmem:s15+$0x4440];
	[tilespmem:s13+$0x440] =	vst v7;
	v6 =	vmax.f32 v2, $0.0e+00;
	v0 =	vadd.f32 v0, v10  }
0xb6: {  	v2 =	vld [tilespmem:s15+$0x4450];
	[tilespmem:s13+$0x450] =	vst v6;
	v6 =	vmax.f32 v1, $0.0e+00  }
0xb7: {  	v1 =	vld [tilespmem:s15+$0x4460];
	[tilespmem:s13+$0x460] =	vst v6;
	v6 =	vmax.f32 v0, $0.0e+00  }
0xb8: {  	v0 =	vld [tilespmem:s15+$0x4470];
	[tilespmem:s13+$0x470] =	vst v6;
	s13 =	smov.u32 s15  }
0xb9: {  	v6 =	vld [tilespmem:s13+$0x400]  }
0xba: {  	v11 =	vld [tilespmem:s13+$0x410]  }
.Ltmp11:
0xbb: {  	v10 =	vld [tilespmem:s13+$0x420];
	(pc) =	sbr.rel @!p0 .LBB2_12-.Ltmp11, $4  }
0xbc: {  	v9 =	vld [tilespmem:s13+$0x430]  }
0xbd: {  	v8 =	vld [tilespmem:s13+$0x440]  }
0xbe: {  	v12 =	vadd.f32 v13, v6;
	v7 =	vld [tilespmem:s13+$0x450]  }
0xbf: {  	s14 =	sadd.s32 $0x200, s14;
	v11 =	vadd.f32 v14, v11;
	v6 =	vld [tilespmem:s13+$0x460]  }
.LBB2_13:
0xc0: {  	v12 =	vmax.f32 v12, $0.0e+00;
	v5 =	vadd.f32 v5, v10;
	v63 =	vld [tilespmem:s13+$0x470]  }
0xc1: {  	[tilespmem:s13+$0x400] =	vst v12;
	v11 =	vmax.f32 v11, $0.0e+00;
	v4 =	vadd.f32 v4, v9  }
0xc2: {  	[tilespmem:s13+$0x410] =	vst v11;
	v5 =	vmax.f32 v5, $0.0e+00;
	v3 =	vadd.f32 v3, v8  }
0xc3: {  	[tilespmem:s13+$0x420] =	vst v5;
	v4 =	vmax.f32 v4, $0.0e+00;
	v2 =	vadd.f32 v2, v7  }
0xc4: {  	[tilespmem:s13+$0x430] =	vst v4;
	v3 =	vmax.f32 v3, $0.0e+00;
	v1 =	vadd.f32 v1, v6  }
0xc5: {  	[tilespmem:s13+$0x440] =	vst v3;
	v2 =	vmax.f32 v2, $0.0e+00;
	v0 =	vadd.f32 v0, v63  }
0xc6: {  	[tilespmem:s13+$0x450] =	vst v2;
	v1 =	vmax.f32 v1, $0.0e+00  }
0xc7: {  	[tilespmem:s13+$0x460] =	vst v1;
	v0 =	vmax.f32 v0, $0.0e+00  }
0xc8: {  	[tilespmem:s13+$0x470] =	vst v0;
	s13 =	simm.s32 $0x300  }
.LBB2_14:
0xc9: {  	p0 =	sne.s32 s9, $0x3  }
.Ltmp12:
0xca: {  	_ = 	snop;
	(pc) =	sbr.rel @p0 .LBB2_19-.Ltmp12, $4  }
0xcb: {  	[spmem:s4] =	stream.indirect.scatter.add.f32 [tilespmem:s23], [sflag:$0xA], $0x80, s13, s22, $0xb8;
	[tilespmem:$0x1C400] =	vst v63  }
0xcc: {  	_ =	swait.ge [sflag:s0], $0x2000  }
0xcd: {  	[sflag:s0] =	ssyncset.done $0x0  }
0xce: {  	[sflag:s0] =	ssyncadd.s32 $0xFFFFE000  }
.LBB2_15:
0xcf: {  	p0 =	seq.s32 s25, $0x9F  }
0xd0: {  	s9 =	simm.s32 @!p0 $0x1  }
0xd1: {  	_ =	swait.ge @!p0 [sflag:s9], $0x40  }
0xd2: {  	[sflag:s9] =	ssyncset.done @!p0 $0x0  }
0xd3: {  	[sflag:s9] =	ssyncadd.s32 @!p0 $0xFFFFFFC0  }
0xd4: {  	_ =	swait.ge @!p0 [sflag:s9], $0x40  }
0xd5: {  	s13 =	simm.s32 @!p0 $0x0;
	[sflag:s9] =	ssyncset.done @!p0 $0x0  }
0xd6: {  	s14 =	simm.s32 @!p0 $0x400;
	[sflag:s9] =	ssyncadd.s32 @!p0 $0xFFFFFFC0;
	s9 =	simm.s32 @!p0 $0x40  }
0xd7: {  	[tilespmem:s14], [sflag:$0x5] =	stream.indirect.gather @!p0 [hbm4b:s1+s9], $0x80, s13, s9, $0xb8;
	[tilespmem:$0x1C400] =	vst v63  }
0xd8: {  	s9 =	sshll.u32 @!p0 s25, $0xA  }
0xd9: {  	p1 =	sgt.u32 @!p0 s25, $0x9D;
	s14 =	simm.s32 @!p0 $0x4400;
	s9 =	sadd.s32 @!p0 s9, s16  }
0xda: {  	[tilespmem:s14], [sflag:$0x7] =	stream.linear.gather @!p0 [hbm4b:s9+s13], $0x2000, $0x38;
	[tilespmem:$0x1C400] =	vst v63  }
0xdb: {  	p0 =	por p1, p0  }
0xdc: {  	s9 =	sshll.u32 @!p0 s25, $0x6  }
0xdd: {  	s9 =	sadd.s32 @!p0 $0x80, s9  }
0xde: {  	s13 =	sadd.s32 @!p0 s6, s9  }
0xdf: {  	s14 =	simm.s32 @!p0 $0x0;
	s9 =	sadd.s32 @!p0 s3, s9;
	s13 =	sshrl.u32 @!p0 s13, $0x3  }
0xe0: {  	s15 =	simm.s32 @!p0 $0x80;
	s9 =	sshrl.u32 @!p0 s9, $0x3;
	s13 =	sadd.s32 @!p0 s7, s13  }
0xe1: {  	[tilespmem:s15], [sflag:$0x2] =	stream.linear.gather @!p0 [hbm4b:s13+s14], $0x40, $0x38;
	[tilespmem:$0x1C400] =	vst v63  }
0xe2: {  	s9 =	sadd.s32 @!p0 s8, s9;
	s13 =	simm.s32 @!p0 $0x280  }
0xe3: {  	[tilespmem:s13], [sflag:$0x2] =	stream.linear.gather @!p0 [hbm4b:s9+s14], $0x40, $0x38;
	[tilespmem:$0x1C400] =	vst v63  }
0xe4: {  	_ =	swait.ge [sflag:s30], $0x2000  }
0xe5: {  	[sflag:s30] =	ssyncset.done $0x0  }
0xe6: {  	[sflag:s30] =	ssyncadd.s32 $0xFFFFE000  }
0xe7: {  	_ =	swait.ge [sflag:s31], $0x2000  }
0xe8: {  	[sflag:s31] =	ssyncset.done $0x0  }
0xe9: {  	s9 =	simm.s32 $0x0;
	[sflag:s31] =	ssyncadd.s32 $0xFFFFE000  }
0xea: {  	v6 =	vld [tilespmem:s9+$0x6400]  }
0xeb: {  	v11 =	vld [tilespmem:s9+$0x6410]  }
0xec: {  	v5 =	vld [tilespmem:s9+$0x6420]  }
0xed: {  	v4 =	vld [tilespmem:s9+$0x6430]  }
0xee: {  	v3 =	vld [tilespmem:s9+$0x6440]  }
0xef: {  	v2 =	vld [tilespmem:s9+$0x6450]  }
0xf0: {  	v1 =	vld [tilespmem:s9+$0x6460]  }
0xf1: {  	v0 =	vld [tilespmem:s9+$0x6470]  }
0xf2: {  	v12 =	vld [tilespmem:s9+$0x2400]  }
0xf3: {  	v13 =	vld [tilespmem:s9+$0x2410]  }
0xf4: {  	v10 =	vld [tilespmem:s9+$0x2420]  }
0xf5: {  	v9 =	vld [tilespmem:s9+$0x2430]  }
0xf6: {  	v8 =	vld [tilespmem:s9+$0x2440]  }
0xf7: {  	v7 =	vld [tilespmem:s9+$0x2450];
	v12 =	vadd.f32 v6, v12  }
0xf8: {  	s13 =	simm.s32 $0x200;
	v11 =	vadd.f32 v11, v13;
	v6 =	vld [tilespmem:s9+$0x2460]  }
.LBB2_16:
0xf9: {  	s14 =	sshra.s32 s13, $0x2;
	p0 =	sne.s32 s13, $0x7E00;
	v12 =	vmax.f32 v12, $0.0e+00;
	v5 =	vadd.f32 v5, v10;
	v10 =	vld [tilespmem:s9+$0x2470]  }
0xfa: {  	v13 =	vld [tilespmem:s14+$0x6400];
	[tilespmem:s9+$0x2400] =	vst v12;
	v11 =	vmax.f32 v11, $0.0e+00;
	v4 =	vadd.f32 v4, v9  }
0xfb: {  	v14 =	vld [tilespmem:s14+$0x6410];
	[tilespmem:s9+$0x2410] =	vst v11;
	v9 =	vmax.f32 v5, $0.0e+00;
	v3 =	vadd.f32 v3, v8  }
0xfc: {  	v5 =	vld [tilespmem:s14+$0x6420];
	[tilespmem:s9+$0x2420] =	vst v9;
	v8 =	vmax.f32 v4, $0.0e+00;
	v2 =	vadd.f32 v2, v7  }
0xfd: {  	v4 =	vld [tilespmem:s14+$0x6430];
	[tilespmem:s9+$0x2430] =	vst v8;
	v7 =	vmax.f32 v3, $0.0e+00;
	v1 =	vadd.f32 v1, v6  }
0xfe: {  	v3 =	vld [tilespmem:s14+$0x6440];
	[tilespmem:s9+$0x2440] =	vst v7;
	v6 =	vmax.f32 v2, $0.0e+00;
	v0 =	vadd.f32 v0, v10  }
0xff: {  	v2 =	vld [tilespmem:s14+$0x6450];
	[tilespmem:s9+$0x2450] =	vst v6;
	v6 =	vmax.f32 v1, $0.0e+00  }
0x100: {  	v1 =	vld [tilespmem:s14+$0x6460];
	[tilespmem:s9+$0x2460] =	vst v6;
	v6 =	vmax.f32 v0, $0.0e+00  }
0x101: {  	v0 =	vld [tilespmem:s14+$0x6470];
	[tilespmem:s9+$0x2470] =	vst v6;
	s9 =	smov.u32 s14  }
0x102: {  	v6 =	vld [tilespmem:s9+$0x2400]  }
0x103: {  	v11 =	vld [tilespmem:s9+$0x2410]  }
.Ltmp13:
0x104: {  	v10 =	vld [tilespmem:s9+$0x2420];
	(pc) =	sbr.rel @p0 .LBB2_16-.Ltmp13, $4  }
0x105: {  	v9 =	vld [tilespmem:s9+$0x2430]  }
0x106: {  	v8 =	vld [tilespmem:s9+$0x2440]  }
0x107: {  	v12 =	vadd.f32 v13, v6;
	v7 =	vld [tilespmem:s9+$0x2450]  }
0x108: {  	s13 =	sadd.s32 $0x200, s13;
	v11 =	vadd.f32 v14, v11;
	v6 =	vld [tilespmem:s9+$0x2460]  }
0x109: {  	v12 =	vmax.f32 v12, $0.0e+00;
	v5 =	vadd.f32 v5, v10;
	v63 =	vld [tilespmem:s9+$0x2470]  }
0x10a: {  	[tilespmem:s9+$0x2400] =	vst v12;
	v11 =	vmax.f32 v11, $0.0e+00;
	v4 =	vadd.f32 v4, v9  }
0x10b: {  	[tilespmem:s9+$0x2410] =	vst v11;
	v5 =	vmax.f32 v5, $0.0e+00;
	v3 =	vadd.f32 v3, v8  }
0x10c: {  	[tilespmem:s9+$0x2420] =	vst v5;
	v4 =	vmax.f32 v4, $0.0e+00;
	v2 =	vadd.f32 v2, v7  }
0x10d: {  	[tilespmem:s9+$0x2430] =	vst v4;
	v3 =	vmax.f32 v3, $0.0e+00;
	v1 =	vadd.f32 v1, v6  }
.Ltmp14:
0x10e: {  	[tilespmem:s9+$0x2440] =	vst v3;
	v2 =	vmax.f32 v2, $0.0e+00;
	v0 =	vadd.f32 v0, v63;
	(pc) =	sbr.rel .LBB2_18-.Ltmp14, $4  }
0x10f: {  	[tilespmem:s9+$0x2450] =	vst v2;
	v1 =	vmax.f32 v1, $0.0e+00  }
0x110: {  	[tilespmem:s9+$0x2460] =	vst v1;
	v0 =	vmax.f32 v0, $0.0e+00  }
0x111: {  	[tilespmem:s9+$0x2470] =	vst v0;
	s9 =	simm.s32 $0x9  }
0x112: {  	[spmem:s4] =	stream.indirect.scatter.add.f32 [tilespmem:s2], [sflag:$0x9], $0x80, s21, s22, $0xb8;
	[tilespmem:$0x1C400] =	vst v63  }
.LBB2_7:
0x113: {  	p0 =	seq.s32 s25, $0x9F  }
0x114: {  	s9 =	simm.s32 @!p0 $0x3  }
0x115: {  	_ =	swait.ge @!p0 [sflag:s9], $0x40  }
0x116: {  	[sflag:s9] =	ssyncset.done @!p0 $0x0  }
0x117: {  	[sflag:s9] =	ssyncadd.s32 @!p0 $0xFFFFFFC0  }
0x118: {  	_ =	swait.ge @!p0 [sflag:s9], $0x40  }
0x119: {  	s13 =	simm.s32 @!p0 $0x100;
	[sflag:s9] =	ssyncset.done @!p0 $0x0  }
0x11a: {  	s14 =	simm.s32 @!p0 $0x400;
	[sflag:s9] =	ssyncadd.s32 @!p0 $0xFFFFFFC0;
	s9 =	simm.s32 @!p0 $0x40  }
0x11b: {  	[tilespmem:s14], [sflag:$0x5] =	stream.indirect.gather @!p0 [hbm4b:s1+s9], $0x80, s13, s9, $0xb8;
	[tilespmem:$0x1C400] =	vst v63  }
0x11c: {  	p1 =	sgt.u32 @!p0 s25, $0x9D;
	s9 =	sshll.u32 @!p0 s25, $0xA  }
0x11d: {  	s13 =	simm.s32 @!p0 $0x0;
	s14 =	simm.s32 @!p0 $0x4400;
	s9 =	sadd.s32 @!p0 s9, s16  }
0x11e: {  	[tilespmem:s14], [sflag:$0x7] =	stream.linear.gather @!p0 [hbm4b:s9+s13], $0x2000, $0x38;
	[tilespmem:$0x1C400] =	vst v63  }
0x11f: {  	p0 =	por p1, p0  }
0x120: {  	s9 =	sshll.u32 @!p0 s25, $0x6  }
0x121: {  	s9 =	sadd.s32 @!p0 $0x80, s9  }
0x122: {  	s13 =	sadd.s32 @!p0 s6, s9  }
0x123: {  	s14 =	simm.s32 @!p0 $0x0;
	s9 =	sadd.s32 @!p0 s3, s9;
	s13 =	sshrl.u32 @!p0 s13, $0x3  }
0x124: {  	s15 =	simm.s32 @!p0 $0x180;
	s9 =	sshrl.u32 @!p0 s9, $0x3;
	s13 =	sadd.s32 @!p0 s7, s13  }
0x125: {  	[tilespmem:s15], [sflag:$0x4] =	stream.linear.gather @!p0 [hbm4b:s13+s14], $0x40, $0x38;
	[tilespmem:$0x1C400] =	vst v63  }
0x126: {  	s9 =	sadd.s32 @!p0 s8, s9;
	s13 =	simm.s32 @!p0 $0x380  }
0x127: {  	[tilespmem:s13], [sflag:$0x4] =	stream.linear.gather @!p0 [hbm4b:s9+s14], $0x40, $0x38;
	[tilespmem:$0x1C400] =	vst v63  }
0x128: {  	_ =	swait.ge [sflag:s30], $0x2000  }
0x129: {  	[sflag:s30] =	ssyncset.done $0x0  }
0x12a: {  	[sflag:s30] =	ssyncadd.s32 $0xFFFFE000  }
0x12b: {  	_ =	swait.ge [sflag:s31], $0x2000  }
0x12c: {  	[sflag:s31] =	ssyncset.done $0x0  }
0x12d: {  	s9 =	simm.s32 $0x0;
	[sflag:s31] =	ssyncadd.s32 $0xFFFFE000  }
0x12e: {  	v6 =	vld [tilespmem:s9+$0x6400]  }
0x12f: {  	v11 =	vld [tilespmem:s9+$0x6410]  }
0x130: {  	v5 =	vld [tilespmem:s9+$0x6420]  }
0x131: {  	v4 =	vld [tilespmem:s9+$0x6430]  }
0x132: {  	v3 =	vld [tilespmem:s9+$0x6440]  }
0x133: {  	v2 =	vld [tilespmem:s9+$0x6450]  }
0x134: {  	v1 =	vld [tilespmem:s9+$0x6460]  }
0x135: {  	v0 =	vld [tilespmem:s9+$0x6470]  }
0x136: {  	v12 =	vld [tilespmem:s9+$0x2400]  }
0x137: {  	v13 =	vld [tilespmem:s9+$0x2410]  }
0x138: {  	v10 =	vld [tilespmem:s9+$0x2420]  }
0x139: {  	v9 =	vld [tilespmem:s9+$0x2430]  }
0x13a: {  	v8 =	vld [tilespmem:s9+$0x2440]  }
0x13b: {  	v7 =	vld [tilespmem:s9+$0x2450];
	v12 =	vadd.f32 v6, v12  }
0x13c: {  	s13 =	simm.s32 $0x200;
	v11 =	vadd.f32 v11, v13;
	v6 =	vld [tilespmem:s9+$0x2460]  }
.LBB2_8:
0x13d: {  	s14 =	sshra.s32 s13, $0x2;
	p0 =	sne.s32 s13, $0x7E00;
	v12 =	vmax.f32 v12, $0.0e+00;
	v5 =	vadd.f32 v5, v10;
	v10 =	vld [tilespmem:s9+$0x2470]  }
0x13e: {  	v13 =	vld [tilespmem:s14+$0x6400];
	[tilespmem:s9+$0x2400] =	vst v12;
	v11 =	vmax.f32 v11, $0.0e+00;
	v4 =	vadd.f32 v4, v9  }
0x13f: {  	v14 =	vld [tilespmem:s14+$0x6410];
	[tilespmem:s9+$0x2410] =	vst v11;
	v9 =	vmax.f32 v5, $0.0e+00;
	v3 =	vadd.f32 v3, v8  }
0x140: {  	v5 =	vld [tilespmem:s14+$0x6420];
	[tilespmem:s9+$0x2420] =	vst v9;
	v8 =	vmax.f32 v4, $0.0e+00;
	v2 =	vadd.f32 v2, v7  }
0x141: {  	v4 =	vld [tilespmem:s14+$0x6430];
	[tilespmem:s9+$0x2430] =	vst v8;
	v7 =	vmax.f32 v3, $0.0e+00;
	v1 =	vadd.f32 v1, v6  }
0x142: {  	v3 =	vld [tilespmem:s14+$0x6440];
	[tilespmem:s9+$0x2440] =	vst v7;
	v6 =	vmax.f32 v2, $0.0e+00;
	v0 =	vadd.f32 v0, v10  }
0x143: {  	v2 =	vld [tilespmem:s14+$0x6450];
	[tilespmem:s9+$0x2450] =	vst v6;
	v6 =	vmax.f32 v1, $0.0e+00  }
0x144: {  	v1 =	vld [tilespmem:s14+$0x6460];
	[tilespmem:s9+$0x2460] =	vst v6;
	v6 =	vmax.f32 v0, $0.0e+00  }
0x145: {  	v0 =	vld [tilespmem:s14+$0x6470];
	[tilespmem:s9+$0x2470] =	vst v6;
	s9 =	smov.u32 s14  }
0x146: {  	v6 =	vld [tilespmem:s9+$0x2400]  }
0x147: {  	v11 =	vld [tilespmem:s9+$0x2410]  }
.Ltmp15:
0x148: {  	v10 =	vld [tilespmem:s9+$0x2420];
	(pc) =	sbr.rel @p0 .LBB2_8-.Ltmp15, $4  }
0x149: {  	v9 =	vld [tilespmem:s9+$0x2430]  }
0x14a: {  	v8 =	vld [tilespmem:s9+$0x2440]  }
0x14b: {  	v12 =	vadd.f32 v13, v6;
	v7 =	vld [tilespmem:s9+$0x2450]  }
0x14c: {  	s13 =	sadd.s32 $0x200, s13;
	v11 =	vadd.f32 v14, v11;
	v6 =	vld [tilespmem:s9+$0x2460]  }
0x14d: {  	v12 =	vmax.f32 v12, $0.0e+00;
	v5 =	vadd.f32 v5, v10;
	v63 =	vld [tilespmem:s9+$0x2470]  }
0x14e: {  	[tilespmem:s9+$0x2400] =	vst v12;
	v11 =	vmax.f32 v11, $0.0e+00;
	v4 =	vadd.f32 v4, v9  }
0x14f: {  	[tilespmem:s9+$0x2410] =	vst v11;
	v5 =	vmax.f32 v5, $0.0e+00;
	v3 =	vadd.f32 v3, v8  }
0x150: {  	[tilespmem:s9+$0x2420] =	vst v5;
	v4 =	vmax.f32 v4, $0.0e+00;
	v2 =	vadd.f32 v2, v7  }
0x151: {  	[tilespmem:s9+$0x2430] =	vst v4;
	v3 =	vmax.f32 v3, $0.0e+00;
	v1 =	vadd.f32 v1, v6  }
.Ltmp16:
0x152: {  	[tilespmem:s9+$0x2440] =	vst v3;
	v2 =	vmax.f32 v2, $0.0e+00;
	v0 =	vadd.f32 v0, v63;
	(pc) =	sbr.rel .LBB2_18-.Ltmp16, $4  }
0x153: {  	[tilespmem:s9+$0x2450] =	vst v2;
	v1 =	vmax.f32 v1, $0.0e+00  }
0x154: {  	[tilespmem:s9+$0x2460] =	vst v1;
	v0 =	vmax.f32 v0, $0.0e+00  }
0x155: {  	[tilespmem:s9+$0x2470] =	vst v0;
	s9 =	simm.s32 $0xA  }
0x156: {  	[spmem:s4] =	stream.indirect.scatter.add.f32 [tilespmem:s2], [sflag:$0xA], $0x80, s26, s22, $0xb8;
	[tilespmem:$0x1C400] =	vst v63  }
.LBB2_21:
0x157: {  	_ =	sfence.sel $0x180000  }
0x158: {  	[bflag:$0x0] =	sbarrier.arrive $0xFFFF  }
0x159: {  	_ =	strace $0x90000047  }
0x15a: {  	s0 =	stileid.u32;
	[bflag:$0x2] =	sbarrier.arrive $0xFFFF  }
0x15b: {  	p0 =	sne.s32 s0, $0x0;
	s0 =	rddreg [dreg:$0x3]  }
0x15c: {  	s0 =	sadd.s32 @!p0 $0x100000, s0  }
0x15d: {  	[sflag:s0] =	ssyncadd.tile.s32 @!p0 $0x1;
	_ =	shalt  }
.Lfunc_end2:
_tile_overlayer_lowered:
.L_overlay_start_2:
0x15e: {  	(tag) =	ssettag $0x2  }
0x15f: {  	s0 =	rddreg [dreg:$0x0];
	s2 =	stileid.u32  }
0x160: {  	s1 =	rddreg [dreg:$0x1];
	p0 =	sne.s32 s2, $0x0  }
0x161: {  	s3 =	rddreg [dreg:$0x2];
	[bflag:$0x3] =	sbarrier.arrive $0xFFFF;
	s2 =	simm.s32 @!p0 $0x1C09  }
0x162: {  	[timem:s3], [sflag:s2] =	dma.local @!p0 [hbm:s0], s1  }
0x163: {  	s0 =	simm.s32 @!p0 $0x9  }
0x164: {  	_ =	swait.ge @!p0 [sflag:s0], s1  }
0x165: {  	s1 =	ssub.s32 @!p0 $0x0, s1;
	[sflag:s0] =	ssyncset.done @!p0 $0x0  }
0x166: {  	[sflag:s0] =	ssyncadd.s32 @!p0 s1  }
0x167: {  	[bflag:$0x3] =	sbarrier.arrive $0xFFFF  }
0x168: {  	_ =	shalt  }

</sc_bundles>
